<compile_context>
chip_gen: v7x
topology: tpu7x:2x2x1
jax: 0.10.2.dev20260603
libtpu: 0.0.44.dev20260713+nightly
codegen_flags: <defaults>
</compile_context>

<pallas_src>
import functools

import jax
import jax.numpy as jnp
from jax import lax
from jax.experimental import pallas as pl
from jax.experimental.pallas import tpu as pltpu
from jax.experimental.pallas import tpu_sc as plsc

_NB1 = 1024
_NBR = 2048
_NC, _NS, _L = 2, 16, 16
_NW = _NC * _NS
_CH = 64


def _k1nn(x2t_ref, x1_ref, gidx_ref, w_ref, *, M):
    b = pl.program_id(0)
    nb = x1_ref.shape[1]

    x2 = x2t_ref[...]
    x1 = x1_ref[...]
    n2 = jnp.sum(x2 * x2, axis=1, keepdims=True)
    n1 = jnp.sum(x1 * x1, axis=0, keepdims=True)
    x2a = jnp.concatenate([x2, n2, jnp.ones_like(n2)], axis=1)
    x1a = jnp.concatenate([-2.0 * x1, jnp.ones_like(n1), n1], axis=0)
    d = jax.lax.dot_general(
        x2a,
        x1a,
        (((1,), (0,)), ((), ())),
        precision=jax.lax.Precision.HIGHEST,
        preferred_element_type=jnp.float32,
    )

    inf = jnp.float32(jnp.inf)
    sub_iota = jax.lax.broadcasted_iota(jnp.int32, (M, nb), 0)
    m1 = jnp.min(d, axis=0, keepdims=True)
    m2 = jnp.min(jnp.where(d > m1, d, inf), axis=0, keepdims=True)
    m3 = jnp.min(jnp.where(d > m2, d, inf), axis=0, keepdims=True)
    i1 = jnp.min(jnp.where(d == m1, sub_iota, M), axis=0, keepdims=True)
    i2 = jnp.min(jnp.where(d == m2, sub_iota, M), axis=0, keepdims=True)
    i3 = jnp.min(jnp.where(d == m3, sub_iota, M), axis=0, keepdims=True)

    r1 = 1.0 / jnp.maximum(m1, 1e-10)
    r2 = 1.0 / jnp.maximum(m2, 1e-10)
    r3 = 1.0 / jnp.maximum(m3, 1e-10)
    rs = r1 + r2 + r3
    gidx_ref[...] = jnp.concatenate([i1, i2, i3], axis=0) + b * M
    w_ref[...] = jnp.stack(
        [
            jnp.broadcast_to((r1 / rs)[0][:, None], (nb, 16)),
            jnp.broadcast_to((r2 / rs)[0][:, None], (nb, 16)),
            jnp.broadcast_to((r3 / rs)[0][:, None], (nb, 16)),
        ],
        axis=0,
    )


def _make_sc_interp(P, C2):
    PW = P // _NW
    nch = PW // _CH
    mesh = plsc.VectorSubcoreMesh(core_axis_name="c", subcore_axis_name="s")

    @functools.partial(
        pl.kernel,
        mesh=mesh,
        out_type=jax.ShapeDtypeStruct((P, C2), jnp.float32),
        scratch_types=[
            pltpu.VMEM((3, _CH), jnp.int32),
            pltpu.VMEM((3 * _CH * _L,), jnp.float32),
            pltpu.VMEM((_CH, C2), jnp.float32),
            pltpu.VMEM((_CH, C2), jnp.float32),
            pltpu.VMEM((_CH, C2), jnp.float32),
            pltpu.VMEM((_CH, C2), jnp.float32),
            pltpu.SemaphoreType.DMA,
        ],
    )
    def k(table_hbm, gidx_hbm, w_hbm, out_hbm, idx_v, w_v, ra_v, rb_v, rc_v, acc_v, sem):
        wid = lax.axis_index("s") * _NC + lax.axis_index("c")
        base0 = wid * PW
        rows = (ra_v, rb_v, rc_v)

        def chunk_body(ci, carry):
            base = base0 + ci * _CH
            for k3 in range(3):
                pltpu.sync_copy(gidx_hbm.at[pl.ds(k3 * P + base, _CH)], idx_v.at[k3])
                pltpu.sync_copy(
                    w_hbm.at[pl.ds((k3 * P + base) * _L, _CH * _L)],
                    w_v.at[pl.ds(k3 * _CH * _L, _CH * _L)],
                )
            for k3 in range(3):
                pltpu.async_copy(table_hbm.at[idx_v.at[k3]], rows[k3], sem)
            for k3 in range(3):
                pltpu.make_async_copy(table_hbm.at[idx_v.at[k3]], rows[k3], sem).wait()

            def pt_body(p, c2):
                w0 = w_v[pl.ds((0 * _CH + p) * _L, _L)]
                w1 = w_v[pl.ds((1 * _CH + p) * _L, _L)]
                w2 = w_v[pl.ds((2 * _CH + p) * _L, _L)]
                for j in range(C2 // _L):
                    sl = pl.ds(j * _L, _L)
                    acc_v[p, sl] = (
                        w0 * ra_v[p, sl] + w1 * rb_v[p, sl] + w2 * rc_v[p, sl]
                    )
                return c2

            lax.fori_loop(0, _CH, pt_body, 0, unroll=False)
            pltpu.sync_copy(acc_v, out_hbm.at[pl.ds(base, _CH)])
            return carry

        lax.fori_loop(0, nch, chunk_body, 0, unroll=False)

    return k


def _k3row(int_ref, p1_ref, w1a_ref, w1b_ref, h_ref, s_ref, ss_ref):
    t = pl.program_id(0)
    h = jnp.dot(int_ref[...], w1a_ref[...], preferred_element_type=jnp.float32)
    h = h + jnp.dot(p1_ref[...], w1b_ref[...], preferred_element_type=jnp.float32)
    h_ref[...] = h

    @pl.when(t == 0)
    def _init():
        s_ref[...] = jnp.zeros_like(s_ref)
        ss_ref[...] = jnp.zeros_like(ss_ref)

    s_ref[...] += jnp.sum(h, axis=0, keepdims=True)
    ss_ref[...] += jnp.sum(h * h, axis=0, keepdims=True)


def _bn_ac_row(s_ref, ss_ref, g_ref, be_ref, cnt):
    mean = s_ref[...] * (1.0 / cnt)
    var = jnp.maximum(ss_ref[...] * (1.0 / cnt) - mean * mean, 0.0)
    a = g_ref[...] * jax.lax.rsqrt(var + 1e-5)
    c = be_ref[...] - mean * a
    return a, c


def _k4row(h_ref, sin_ref, ssin_ref, g_ref, be_ref, w2_ref, h2_ref, s_ref, ss_ref, *, cnt):
    t = pl.program_id(0)
    a, c = _bn_ac_row(sin_ref, ssin_ref, g_ref, be_ref, cnt)
    hn = jnp.maximum(a * h_ref[...] + c, 0.0)
    h2 = jnp.dot(hn, w2_ref[...], preferred_element_type=jnp.float32)
    h2_ref[...] = h2

    @pl.when(t == 0)
    def _init():
        s_ref[...] = jnp.zeros_like(s_ref)
        ss_ref[...] = jnp.zeros_like(ss_ref)

    s_ref[...] += jnp.sum(h2, axis=0, keepdims=True)
    ss_ref[...] += jnp.sum(h2 * h2, axis=0, keepdims=True)


def _k5row(h2_ref, sin_ref, ssin_ref, g_ref, be_ref, o_ref, *, cnt):
    a, c = _bn_ac_row(sin_ref, ssin_ref, g_ref, be_ref, cnt)
    o_ref[...] = jnp.maximum(a * h2_ref[...] + c, 0.0)


def kernel(xyz1, xyz2, points1, points2, W1, b1, g1, be1, W2, b2, g2, be2):
    B, _, N = xyz1.shape
    M = xyz2.shape[2]
    C1 = points1.shape[1]
    C2 = points2.shape[1]
    H1 = W1.shape[0]
    H2 = W2.shape[0]
    P = B * N
    nb1 = min(_NB1, N)
    nbr = min(_NBR, P)
    nt1 = N // nb1

    x2t = jnp.transpose(xyz2, (0, 2, 1))

    gidx, w3 = pl.pallas_call(
        functools.partial(_k1nn, M=M),
        grid=(B, nt1),
        in_specs=[
            pl.BlockSpec((None, M, 3), lambda b, n: (b, 0, 0)),
            pl.BlockSpec((None, 3, nb1), lambda b, n: (b, 0, n)),
        ],
        out_specs=[
            pl.BlockSpec((3, nb1), lambda b, n: (0, b * nt1 + n)),
            pl.BlockSpec((3, nb1, 16), lambda b, n: (0, b * nt1 + n, 0)),
        ],
        out_shape=[
            jax.ShapeDtypeStruct((3, P), jnp.int32),
            jax.ShapeDtypeStruct((3, P, 16), jnp.float32),
        ],
    )(x2t, xyz1)

    table = jnp.transpose(points2, (0, 2, 1)).reshape(B * M, C2)
    interp = _make_sc_interp(P, C2)(table, gidx.reshape(-1), w3.reshape(-1))

    p1r = jnp.transpose(points1, (0, 2, 1)).reshape(P, C1)

    h1r, s1, ss1 = pl.pallas_call(
        _k3row,
        grid=(P // nbr,),
        in_specs=[
            pl.BlockSpec((nbr, C2), lambda t: (t, 0)),
            pl.BlockSpec((nbr, C1), lambda t: (t, 0)),
            pl.BlockSpec((C2, H1), lambda t: (0, 0)),
            pl.BlockSpec((C1, H1), lambda t: (0, 0)),
        ],
        out_specs=[
            pl.BlockSpec((nbr, H1), lambda t: (t, 0)),
            pl.BlockSpec((1, H1), lambda t: (0, 0)),
            pl.BlockSpec((1, H1), lambda t: (0, 0)),
        ],
        out_shape=[
            jax.ShapeDtypeStruct((P, H1), jnp.float32),
            jax.ShapeDtypeStruct((1, H1), jnp.float32),
            jax.ShapeDtypeStruct((1, H1), jnp.float32),
        ],
    )(interp, p1r, W1[:, :C2].T, W1[:, C2:].T)

    h2r, s2, ss2 = pl.pallas_call(
        functools.partial(_k4row, cnt=P),
        grid=(P // nbr,),
        in_specs=[
            pl.BlockSpec((nbr, H1), lambda t: (t, 0)),
            pl.BlockSpec((1, H1), lambda t: (0, 0)),
            pl.BlockSpec((1, H1), lambda t: (0, 0)),
            pl.BlockSpec((1, H1), lambda t: (0, 0)),
            pl.BlockSpec((1, H1), lambda t: (0, 0)),
            pl.BlockSpec((H1, H2), lambda t: (0, 0)),
        ],
        out_specs=[
            pl.BlockSpec((nbr, H2), lambda t: (t, 0)),
            pl.BlockSpec((1, H2), lambda t: (0, 0)),
            pl.BlockSpec((1, H2), lambda t: (0, 0)),
        ],
        out_shape=[
            jax.ShapeDtypeStruct((P, H2), jnp.float32),
            jax.ShapeDtypeStruct((1, H2), jnp.float32),
            jax.ShapeDtypeStruct((1, H2), jnp.float32),
        ],
    )(h1r, s1, ss1, g1[None, :], be1[None, :], W2.T)

    outr = pl.pallas_call(
        functools.partial(_k5row, cnt=P),
        grid=(P // nbr,),
        in_specs=[
            pl.BlockSpec((nbr, H2), lambda t: (t, 0)),
            pl.BlockSpec((1, H2), lambda t: (0, 0)),
            pl.BlockSpec((1, H2), lambda t: (0, 0)),
            pl.BlockSpec((1, H2), lambda t: (0, 0)),
            pl.BlockSpec((1, H2), lambda t: (0, 0)),
        ],
        out_specs=pl.BlockSpec((nbr, H2), lambda t: (t, 0)),
        out_shape=jax.ShapeDtypeStruct((P, H2), jnp.float32),
    )(h2r, s2, ss2, g2[None, :], be2[None, :])

    return jnp.transpose(outr.reshape(B, N, H2), (0, 2, 1))

# --- scband reference (transcript-rebuilt; emitter-appended) ---
"""Pipeline reference for scband-point-net-fp-module-1967095021877 (READ-ONLY COPY).

The authoritative reference and input builder live on the scoring server;
editing this copy changes nothing except your own understanding.
"""

import jax, jax.numpy as jnp
import numpy as np


def setup_inputs(seed: int = 0) -> dict:
    key = jax.random.key(seed)
    ks = jax.random.split(key, 8)
    B, N, M = 8, 4096, 1024
    C2, C1 = 256, 128
    H1, H2 = 256, 128
    cin = C2 + C1
    inp = {}
    inp["xyz1"] = jax.random.normal(ks[0], (B, 3, N), dtype=jnp.float32)
    inp["xyz2"] = jax.random.normal(ks[1], (B, 3, M), dtype=jnp.float32)
    inp["points1"] = jax.random.normal(ks[2], (B, C1, N), dtype=jnp.float32)
    inp["points2"] = jax.random.normal(ks[3], (B, C2, M), dtype=jnp.float32)
    inp["W1"] = jax.random.normal(ks[4], (H1, cin), dtype=jnp.float32) * (1.0 / np.sqrt(cin))
    inp["b1"] = jnp.zeros((H1,), dtype=jnp.float32)
    inp["g1"] = jnp.ones((H1,), dtype=jnp.float32)
    inp["be1"] = jnp.zeros((H1,), dtype=jnp.float32)
    inp["W2"] = jax.random.normal(ks[5], (H2, H1), dtype=jnp.float32) * (1.0 / np.sqrt(H1))
    inp["b2"] = jnp.zeros((H2,), dtype=jnp.float32)
    inp["g2"] = jnp.ones((H2,), dtype=jnp.float32)
    inp["be2"] = jnp.zeros((H2,), dtype=jnp.float32)
    return inp


def _bn_relu(x, g, b, eps=1e-5):
    # BatchNorm1d in training mode: stats over (batch, length) per channel
    m = jnp.mean(x, axis=(0, 2), keepdims=True)
    v = jnp.var(x, axis=(0, 2), keepdims=True)
    xh = (x - m) / jnp.sqrt(v + eps)
    return jax.nn.relu(xh * g[None, :, None] + b[None, :, None])


def reference(xyz1, xyz2, points1, points2, W1, b1, g1, be1, W2, b2, g2, be2):
    # three_nn: for each point in xyz1 find 3 nearest neighbors in xyz2 (squared L2)
    p1 = jnp.transpose(xyz1, (0, 2, 1))  # (B, N, 3)
    p2 = jnp.transpose(xyz2, (0, 2, 1))  # (B, M, 3)
    d = jnp.sum((p1[:, :, None, :] - p2[:, None, :, :]) ** 2, axis=-1)  # (B, N, M)
    neg, idx = jax.lax.top_k(-d, 3)  # 3 smallest distances
    dist = jnp.maximum(-neg, 1e-10)  # clamp_min
    recip = 1.0 / dist
    norm = jnp.sum(recip, axis=2, keepdims=True)
    weight = recip / norm  # (B, N, 3)
    # three_interpolate: gather points2 features and weighted sum
    pts = jnp.transpose(points2, (0, 2, 1))  # (B, M, C2)
    gathered = jax.vmap(lambda p, i: p[i])(pts, idx)  # (B, N, 3, C2)
    interp = jnp.sum(gathered * weight[..., None], axis=2)  # (B, N, C2)
    interp = jnp.transpose(interp, (0, 2, 1))  # (B, C2, N)
    new_points = jnp.concatenate([interp, points1], axis=1)  # (B, C2+C1, N)
    # MLP of 1x1 Conv1d + BN + ReLU
    h = jnp.einsum('oc,bcn->bon', W1, new_points) + b1[None, :, None]
    h = _bn_relu(h, g1, be1)
    h = jnp.einsum('oc,bcn->bon', W2, h) + b2[None, :, None]
    h = _bn_relu(h, g2, be2)
    return h

if __name__ == "__main__":
    import jax
    _d = setup_inputs()
    print(jax.jit(kernel)(*tuple(_d.values())))

</pallas_src>

<mosaic_0001>
#map = affine_map<(d0, d1) -> (0, 0)>
#map1 = affine_map<(d0, d1) -> (0)>
module attributes {stable_mosaic.version = 14 : i64} {
  func.func @k(%arg0: i32, %arg1: i32, %arg2: memref<8192x256xf32, #tpu.memory_space<hbm>>, %arg3: memref<98304xi32, #tpu.memory_space<hbm>>, %arg4: memref<1572864xf32, #tpu.memory_space<hbm>>, %arg5: memref<32768x256xf32, #tpu.memory_space<hbm>>, %arg6: memref<3x64xi32, #tpu.memory_space<vmem>>, %arg7: memref<3072xf32, #tpu.memory_space<vmem>>, %arg8: memref<64x256xf32, #tpu.memory_space<vmem>>, %arg9: memref<64x256xf32, #tpu.memory_space<vmem>>, %arg10: memref<64x256xf32, #tpu.memory_space<vmem>>, %arg11: memref<64x256xf32, #tpu.memory_space<vmem>>, %arg12: memref<!tpu.dma_semaphore, #tpu.memory_space<semaphore_mem>>) attributes {dimension_semantics = [#tpu.dimension_semantics<core_parallel>, #tpu.dimension_semantics<subcore_parallel>], iteration_bounds = array<i64: 2, 16>, scalar_prefetch = 0 : i64, scratch_operands = 7 : i64, tpu.core_type = #tpu.core_type<sc_vector_subcore>, window_params = [{transform_indices = #map}, {transform_indices = #map1}, {transform_indices = #map1}, {transform_indices = #map}]} {
    %mul3A = arith.constant 2 : i32
    %mul3A_0 = arith.muli %arg1, %mul3A : i32
    %add3A = arith.addi %mul3A_0, %arg0 : i32
    %mul3A_1 = arith.constant 1024 : i32
    %mul3A_2 = arith.muli %add3A, %mul3A_1 : i32
    %scan3A = arith.constant 0 : i32
    %scan3A_3 = arith.constant 0 : i32
    %scan3A_4 = arith.constant 16 : i32
    %scan3A_5 = arith.addi %scan3A_3, %scan3A_4 : i32
    %scan3A_6 = arith.constant 1 : i32
    scf.for %scan3A_8 = %scan3A_3 to %scan3A_5 step %scan3A_6  : i32 {
      %mul3A_9 = arith.constant 64 : i32
      %mul3A_10 = arith.muli %scan3A_8, %mul3A_9 : i32
      %add3A_11 = arith.addi %mul3A_2, %mul3A_10 : i32
      %add3A_12 = arith.constant 0 : i32
      %add3A_13 = arith.addi %add3A_12, %add3A_11 : i32
      %run_scoped3A = arith.constant 0 : i32
      "tpu.region"() ({
        %run_scoped3A_78 = tpu.sem_alloc : memref<!tpu.dma_semaphore, #tpu.memory_space<semaphore_mem>>
        %dma_start3A_79 = arith.constant 0 : i32
        %dma_start3A_80 = tpu.memref_slice %arg6[%run_scoped3A, %dma_start3A_79] : memref<3x64xi32, #tpu.memory_space<vmem>> -> memref<1x64xi32, #tpu.memory_space<vmem>>
        %dma_start3A_81 = tpu.memref_squeeze %dma_start3A_80 : memref<1x64xi32, #tpu.memory_space<vmem>> -> memref<64xi32, #tpu.memory_space<vmem>>
        %dma_start3A_82 = tpu.memref_slice %arg3[%add3A_13] : memref<98304xi32, #tpu.memory_space<hbm>> -> memref<64xi32, #tpu.memory_space<hbm>>
        %dma_start3A_83 = arith.constant 0 : i32
        %dma_start3A_84 = tpu.memref_slice %arg6[%run_scoped3A, %dma_start3A_83] : memref<3x64xi32, #tpu.memory_space<vmem>> -> memref<1x64xi32, #tpu.memory_space<vmem>>
        %dma_start3A_85 = tpu.memref_squeeze %dma_start3A_84 : memref<1x64xi32, #tpu.memory_space<vmem>> -> memref<64xi32, #tpu.memory_space<vmem>>
        %dma_start3A_86 = tpu.memref_slice %arg3[%add3A_13] : memref<98304xi32, #tpu.memory_space<hbm>> -> memref<64xi32, #tpu.memory_space<hbm>>
        tpu.enqueue_dma source(%dma_start3A_86 : memref<64xi32, #tpu.memory_space<hbm>>) target(%dma_start3A_85 : memref<64xi32, #tpu.memory_space<vmem>>) target_semaphore(%run_scoped3A_78 : memref<!tpu.dma_semaphore, #tpu.memory_space<semaphore_mem>>)
        %dma_wait3A_87 = arith.constant 0 : i32
        %dma_wait3A_88 = tpu.memref_slice %arg6[%run_scoped3A, %dma_wait3A_87] : memref<3x64xi32, #tpu.memory_space<vmem>> -> memref<1x64xi32, #tpu.memory_space<vmem>>
        %dma_wait3A_89 = tpu.memref_squeeze %dma_wait3A_88 : memref<1x64xi32, #tpu.memory_space<vmem>> -> memref<64xi32, #tpu.memory_space<vmem>>
        %dma_wait3A_90 = tpu.memref_slice %arg3[%add3A_13] : memref<98304xi32, #tpu.memory_space<hbm>> -> memref<64xi32, #tpu.memory_space<hbm>>
        %dma_wait3A_91 = arith.constant 0 : i32
        %dma_wait3A_92 = tpu.memref_slice %arg6[%run_scoped3A, %dma_wait3A_91] : memref<3x64xi32, #tpu.memory_space<vmem>> -> memref<1x64xi32, #tpu.memory_space<vmem>>
        %dma_wait3A_93 = tpu.memref_squeeze %dma_wait3A_92 : memref<1x64xi32, #tpu.memory_space<vmem>> -> memref<64xi32, #tpu.memory_space<vmem>>
        %dma_wait3A_94 = tpu.memref_slice %arg3[%add3A_13] : memref<98304xi32, #tpu.memory_space<hbm>> -> memref<64xi32, #tpu.memory_space<hbm>>
        tpu.wait_dma2 semaphore(%run_scoped3A_78 : memref<!tpu.dma_semaphore, #tpu.memory_space<semaphore_mem>>) src(%dma_wait3A_94 : memref<64xi32, #tpu.memory_space<hbm>>) dst(%dma_wait3A_93 : memref<64xi32, #tpu.memory_space<vmem>>)
        tpu.yield
      }) : () -> ()
      %add3A_14 = arith.constant 0 : i32
      %add3A_15 = arith.addi %add3A_14, %add3A_11 : i32
      %mul3A_16 = arith.constant 16 : i32
      %mul3A_17 = arith.muli %add3A_15, %mul3A_16 : i32
      "tpu.region"() ({
        %run_scoped3A_78 = tpu.sem_alloc : memref<!tpu.dma_semaphore, #tpu.memory_space<semaphore_mem>>
        %dma_start3A_79 = arith.constant 0 : i32
        %dma_start3A_80 = tpu.memref_slice %arg7[%dma_start3A_79] : memref<3072xf32, #tpu.memory_space<vmem>> -> memref<1024xf32, #tpu.memory_space<vmem>>
        %dma_start3A_81 = tpu.memref_slice %arg4[%mul3A_17] : memref<1572864xf32, #tpu.memory_space<hbm>> -> memref<1024xf32, #tpu.memory_space<hbm>>
        %dma_start3A_82 = arith.constant 0 : i32
        %dma_start3A_83 = tpu.memref_slice %arg7[%dma_start3A_82] : memref<3072xf32, #tpu.memory_space<vmem>> -> memref<1024xf32, #tpu.memory_space<vmem>>
        %dma_start3A_84 = tpu.memref_slice %arg4[%mul3A_17] : memref<1572864xf32, #tpu.memory_space<hbm>> -> memref<1024xf32, #tpu.memory_space<hbm>>
        tpu.enqueue_dma source(%dma_start3A_84 : memref<1024xf32, #tpu.memory_space<hbm>>) target(%dma_start3A_83 : memref<1024xf32, #tpu.memory_space<vmem>>) target_semaphore(%run_scoped3A_78 : memref<!tpu.dma_semaphore, #tpu.memory_space<semaphore_mem>>)
        %dma_wait3A_85 = arith.constant 0 : i32
        %dma_wait3A_86 = tpu.memref_slice %arg7[%dma_wait3A_85] : memref<3072xf32, #tpu.memory_space<vmem>> -> memref<1024xf32, #tpu.memory_space<vmem>>
        %dma_wait3A_87 = tpu.memref_slice %arg4[%mul3A_17] : memref<1572864xf32, #tpu.memory_space<hbm>> -> memref<1024xf32, #tpu.memory_space<hbm>>
        %dma_wait3A_88 = arith.constant 0 : i32
        %dma_wait3A_89 = tpu.memref_slice %arg7[%dma_wait3A_88] : memref<3072xf32, #tpu.memory_space<vmem>> -> memref<1024xf32, #tpu.memory_space<vmem>>
        %dma_wait3A_90 = tpu.memref_slice %arg4[%mul3A_17] : memref<1572864xf32, #tpu.memory_space<hbm>> -> memref<1024xf32, #tpu.memory_space<hbm>>
        tpu.wait_dma2 semaphore(%run_scoped3A_78 : memref<!tpu.dma_semaphore, #tpu.memory_space<semaphore_mem>>) src(%dma_wait3A_90 : memref<1024xf32, #tpu.memory_space<hbm>>) dst(%dma_wait3A_89 : memref<1024xf32, #tpu.memory_space<vmem>>)
        tpu.yield
      }) : () -> ()
      %add3A_18 = arith.constant 32768 : i32
      %add3A_19 = arith.addi %add3A_18, %add3A_11 : i32
      %run_scoped3A_20 = arith.constant 1 : i32
      "tpu.region"() ({
        %run_scoped3A_78 = tpu.sem_alloc : memref<!tpu.dma_semaphore, #tpu.memory_space<semaphore_mem>>
        %dma_start3A_79 = arith.constant 0 : i32
        %dma_start3A_80 = tpu.memref_slice %arg6[%run_scoped3A_20, %dma_start3A_79] : memref<3x64xi32, #tpu.memory_space<vmem>> -> memref<1x64xi32, #tpu.memory_space<vmem>>
        %dma_start3A_81 = tpu.memref_squeeze %dma_start3A_80 : memref<1x64xi32, #tpu.memory_space<vmem>> -> memref<64xi32, #tpu.memory_space<vmem>>
        %dma_start3A_82 = tpu.memref_slice %arg3[%add3A_19] : memref<98304xi32, #tpu.memory_space<hbm>> -> memref<64xi32, #tpu.memory_space<hbm>>
        %dma_start3A_83 = arith.constant 0 : i32
        %dma_start3A_84 = tpu.memref_slice %arg6[%run_scoped3A_20, %dma_start3A_83] : memref<3x64xi32, #tpu.memory_space<vmem>> -> memref<1x64xi32, #tpu.memory_space<vmem>>
        %dma_start3A_85 = tpu.memref_squeeze %dma_start3A_84 : memref<1x64xi32, #tpu.memory_space<vmem>> -> memref<64xi32, #tpu.memory_space<vmem>>
        %dma_start3A_86 = tpu.memref_slice %arg3[%add3A_19] : memref<98304xi32, #tpu.memory_space<hbm>> -> memref<64xi32, #tpu.memory_space<hbm>>
        tpu.enqueue_dma source(%dma_start3A_86 : memref<64xi32, #tpu.memory_space<hbm>>) target(%dma_start3A_85 : memref<64xi32, #tpu.memory_space<vmem>>) target_semaphore(%run_scoped3A_78 : memref<!tpu.dma_semaphore, #tpu.memory_space<semaphore_mem>>)
        %dma_wait3A_87 = arith.constant 0 : i32
        %dma_wait3A_88 = tpu.memref_slice %arg6[%run_scoped3A_20, %dma_wait3A_87] : memref<3x64xi32, #tpu.memory_space<vmem>> -> memref<1x64xi32, #tpu.memory_space<vmem>>
        %dma_wait3A_89 = tpu.memref_squeeze %dma_wait3A_88 : memref<1x64xi32, #tpu.memory_space<vmem>> -> memref<64xi32, #tpu.memory_space<vmem>>
        %dma_wait3A_90 = tpu.memref_slice %arg3[%add3A_19] : memref<98304xi32, #tpu.memory_space<hbm>> -> memref<64xi32, #tpu.memory_space<hbm>>
        %dma_wait3A_91 = arith.constant 0 : i32
        %dma_wait3A_92 = tpu.memref_slice %arg6[%run_scoped3A_20, %dma_wait3A_91] : memref<3x64xi32, #tpu.memory_space<vmem>> -> memref<1x64xi32, #tpu.memory_space<vmem>>
        %dma_wait3A_93 = tpu.memref_squeeze %dma_wait3A_92 : memref<1x64xi32, #tpu.memory_space<vmem>> -> memref<64xi32, #tpu.memory_space<vmem>>
        %dma_wait3A_94 = tpu.memref_slice %arg3[%add3A_19] : memref<98304xi32, #tpu.memory_space<hbm>> -> memref<64xi32, #tpu.memory_space<hbm>>
        tpu.wait_dma2 semaphore(%run_scoped3A_78 : memref<!tpu.dma_semaphore, #tpu.memory_space<semaphore_mem>>) src(%dma_wait3A_94 : memref<64xi32, #tpu.memory_space<hbm>>) dst(%dma_wait3A_93 : memref<64xi32, #tpu.memory_space<vmem>>)
        tpu.yield
      }) : () -> ()
      %add3A_21 = arith.constant 32768 : i32
      %add3A_22 = arith.addi %add3A_21, %add3A_11 : i32
      %mul3A_23 = arith.constant 16 : i32
      %mul3A_24 = arith.muli %add3A_22, %mul3A_23 : i32
      "tpu.region"() ({
        %run_scoped3A_78 = tpu.sem_alloc : memref<!tpu.dma_semaphore, #tpu.memory_space<semaphore_mem>>
        %dma_start3A_79 = arith.constant 1024 : i32
        %dma_start3A_80 = tpu.memref_slice %arg7[%dma_start3A_79] : memref<3072xf32, #tpu.memory_space<vmem>> -> memref<1024xf32, #tpu.memory_space<vmem>>
        %dma_start3A_81 = tpu.memref_slice %arg4[%mul3A_24] : memref<1572864xf32, #tpu.memory_space<hbm>> -> memref<1024xf32, #tpu.memory_space<hbm>>
        %dma_start3A_82 = arith.constant 1024 : i32
        %dma_start3A_83 = tpu.memref_slice %arg7[%dma_start3A_82] : memref<3072xf32, #tpu.memory_space<vmem>> -> memref<1024xf32, #tpu.memory_space<vmem>>
        %dma_start3A_84 = tpu.memref_slice %arg4[%mul3A_24] : memref<1572864xf32, #tpu.memory_space<hbm>> -> memref<1024xf32, #tpu.memory_space<hbm>>
        tpu.enqueue_dma source(%dma_start3A_84 : memref<1024xf32, #tpu.memory_space<hbm>>) target(%dma_start3A_83 : memref<1024xf32, #tpu.memory_space<vmem>>) target_semaphore(%run_scoped3A_78 : memref<!tpu.dma_semaphore, #tpu.memory_space<semaphore_mem>>)
        %dma_wait3A_85 = arith.constant 1024 : i32
        %dma_wait3A_86 = tpu.memref_slice %arg7[%dma_wait3A_85] : memref<3072xf32, #tpu.memory_space<vmem>> -> memref<1024xf32, #tpu.memory_space<vmem>>
        %dma_wait3A_87 = tpu.memref_slice %arg4[%mul3A_24] : memref<1572864xf32, #tpu.memory_space<hbm>> -> memref<1024xf32, #tpu.memory_space<hbm>>
        %dma_wait3A_88 = arith.constant 1024 : i32
        %dma_wait3A_89 = tpu.memref_slice %arg7[%dma_wait3A_88] : memref<3072xf32, #tpu.memory_space<vmem>> -> memref<1024xf32, #tpu.memory_space<vmem>>
        %dma_wait3A_90 = tpu.memref_slice %arg4[%mul3A_24] : memref<1572864xf32, #tpu.memory_space<hbm>> -> memref<1024xf32, #tpu.memory_space<hbm>>
        tpu.wait_dma2 semaphore(%run_scoped3A_78 : memref<!tpu.dma_semaphore, #tpu.memory_space<semaphore_mem>>) src(%dma_wait3A_90 : memref<1024xf32, #tpu.memory_space<hbm>>) dst(%dma_wait3A_89 : memref<1024xf32, #tpu.memory_space<vmem>>)
        tpu.yield
      }) : () -> ()
      %add3A_25 = arith.constant 65536 : i32
      %add3A_26 = arith.addi %add3A_25, %add3A_11 : i32
      %run_scoped3A_27 = arith.constant 2 : i32
      "tpu.region"() ({
        %run_scoped3A_78 = tpu.sem_alloc : memref<!tpu.dma_semaphore, #tpu.memory_space<semaphore_mem>>
        %dma_start3A_79 = arith.constant 0 : i32
        %dma_start3A_80 = tpu.memref_slice %arg6[%run_scoped3A_27, %dma_start3A_79] : memref<3x64xi32, #tpu.memory_space<vmem>> -> memref<1x64xi32, #tpu.memory_space<vmem>>
        %dma_start3A_81 = tpu.memref_squeeze %dma_start3A_80 : memref<1x64xi32, #tpu.memory_space<vmem>> -> memref<64xi32, #tpu.memory_space<vmem>>
        %dma_start3A_82 = tpu.memref_slice %arg3[%add3A_26] : memref<98304xi32, #tpu.memory_space<hbm>> -> memref<64xi32, #tpu.memory_space<hbm>>
        %dma_start3A_83 = arith.constant 0 : i32
        %dma_start3A_84 = tpu.memref_slice %arg6[%run_scoped3A_27, %dma_start3A_83] : memref<3x64xi32, #tpu.memory_space<vmem>> -> memref<1x64xi32, #tpu.memory_space<vmem>>
        %dma_start3A_85 = tpu.memref_squeeze %dma_start3A_84 : memref<1x64xi32, #tpu.memory_space<vmem>> -> memref<64xi32, #tpu.memory_space<vmem>>
        %dma_start3A_86 = tpu.memref_slice %arg3[%add3A_26] : memref<98304xi32, #tpu.memory_space<hbm>> -> memref<64xi32, #tpu.memory_space<hbm>>
        tpu.enqueue_dma source(%dma_start3A_86 : memref<64xi32, #tpu.memory_space<hbm>>) target(%dma_start3A_85 : memref<64xi32, #tpu.memory_space<vmem>>) target_semaphore(%run_scoped3A_78 : memref<!tpu.dma_semaphore, #tpu.memory_space<semaphore_mem>>)
        %dma_wait3A_87 = arith.constant 0 : i32
        %dma_wait3A_88 = tpu.memref_slice %arg6[%run_scoped3A_27, %dma_wait3A_87] : memref<3x64xi32, #tpu.memory_space<vmem>> -> memref<1x64xi32, #tpu.memory_space<vmem>>
        %dma_wait3A_89 = tpu.memref_squeeze %dma_wait3A_88 : memref<1x64xi32, #tpu.memory_space<vmem>> -> memref<64xi32, #tpu.memory_space<vmem>>
        %dma_wait3A_90 = tpu.memref_slice %arg3[%add3A_26] : memref<98304xi32, #tpu.memory_space<hbm>> -> memref<64xi32, #tpu.memory_space<hbm>>
        %dma_wait3A_91 = arith.constant 0 : i32
        %dma_wait3A_92 = tpu.memref_slice %arg6[%run_scoped3A_27, %dma_wait3A_91] : memref<3x64xi32, #tpu.memory_space<vmem>> -> memref<1x64xi32, #tpu.memory_space<vmem>>
        %dma_wait3A_93 = tpu.memref_squeeze %dma_wait3A_92 : memref<1x64xi32, #tpu.memory_space<vmem>> -> memref<64xi32, #tpu.memory_space<vmem>>
        %dma_wait3A_94 = tpu.memref_slice %arg3[%add3A_26] : memref<98304xi32, #tpu.memory_space<hbm>> -> memref<64xi32, #tpu.memory_space<hbm>>
        tpu.wait_dma2 semaphore(%run_scoped3A_78 : memref<!tpu.dma_semaphore, #tpu.memory_space<semaphore_mem>>) src(%dma_wait3A_94 : memref<64xi32, #tpu.memory_space<hbm>>) dst(%dma_wait3A_93 : memref<64xi32, #tpu.memory_space<vmem>>)
        tpu.yield
      }) : () -> ()
      %add3A_28 = arith.constant 65536 : i32
      %add3A_29 = arith.addi %add3A_28, %add3A_11 : i32
      %mul3A_30 = arith.constant 16 : i32
      %mul3A_31 = arith.muli %add3A_29, %mul3A_30 : i32
      "tpu.region"() ({
        %run_scoped3A_78 = tpu.sem_alloc : memref<!tpu.dma_semaphore, #tpu.memory_space<semaphore_mem>>
        %dma_start3A_79 = arith.constant 2048 : i32
        %dma_start3A_80 = tpu.memref_slice %arg7[%dma_start3A_79] : memref<3072xf32, #tpu.memory_space<vmem>> -> memref<1024xf32, #tpu.memory_space<vmem>>
        %dma_start3A_81 = tpu.memref_slice %arg4[%mul3A_31] : memref<1572864xf32, #tpu.memory_space<hbm>> -> memref<1024xf32, #tpu.memory_space<hbm>>
        %dma_start3A_82 = arith.constant 2048 : i32
        %dma_start3A_83 = tpu.memref_slice %arg7[%dma_start3A_82] : memref<3072xf32, #tpu.memory_space<vmem>> -> memref<1024xf32, #tpu.memory_space<vmem>>
        %dma_start3A_84 = tpu.memref_slice %arg4[%mul3A_31] : memref<1572864xf32, #tpu.memory_space<hbm>> -> memref<1024xf32, #tpu.memory_space<hbm>>
        tpu.enqueue_dma source(%dma_start3A_84 : memref<1024xf32, #tpu.memory_space<hbm>>) target(%dma_start3A_83 : memref<1024xf32, #tpu.memory_space<vmem>>) target_semaphore(%run_scoped3A_78 : memref<!tpu.dma_semaphore, #tpu.memory_space<semaphore_mem>>)
        %dma_wait3A_85 = arith.constant 2048 : i32
        %dma_wait3A_86 = tpu.memref_slice %arg7[%dma_wait3A_85] : memref<3072xf32, #tpu.memory_space<vmem>> -> memref<1024xf32, #tpu.memory_space<vmem>>
        %dma_wait3A_87 = tpu.memref_slice %arg4[%mul3A_31] : memref<1572864xf32, #tpu.memory_space<hbm>> -> memref<1024xf32, #tpu.memory_space<hbm>>
        %dma_wait3A_88 = arith.constant 2048 : i32
        %dma_wait3A_89 = tpu.memref_slice %arg7[%dma_wait3A_88] : memref<3072xf32, #tpu.memory_space<vmem>> -> memref<1024xf32, #tpu.memory_space<vmem>>
        %dma_wait3A_90 = tpu.memref_slice %arg4[%mul3A_31] : memref<1572864xf32, #tpu.memory_space<hbm>> -> memref<1024xf32, #tpu.memory_space<hbm>>
        tpu.wait_dma2 semaphore(%run_scoped3A_78 : memref<!tpu.dma_semaphore, #tpu.memory_space<semaphore_mem>>) src(%dma_wait3A_90 : memref<1024xf32, #tpu.memory_space<hbm>>) dst(%dma_wait3A_89 : memref<1024xf32, #tpu.memory_space<vmem>>)
        tpu.yield
      }) : () -> ()
      %dma_start3A = arith.constant 0 : i32
      %dma_start3A_32 = arith.constant 0 : i32
      %dma_start3A_33 = tpu.memref_slice %arg6[%dma_start3A, %dma_start3A_32] : memref<3x64xi32, #tpu.memory_space<vmem>> -> memref<1x64xi32, #tpu.memory_space<vmem>>
      %dma_start3A_34 = tpu.memref_squeeze %dma_start3A_33 : memref<1x64xi32, #tpu.memory_space<vmem>> -> memref<64xi32, #tpu.memory_space<vmem>>
      %dma_start3A_35 = arith.constant 0 : i32
      %dma_start3A_36 = arith.constant 0 : i32
      %dma_start3A_37 = tpu.memref_slice %arg2[%dma_start3A_35, %dma_start3A_36] : memref<8192x256xf32, #tpu.memory_space<hbm>> -> memref<8192x256xf32, #tpu.memory_space<hbm>>
      tpu.enqueue_indirect_dma source(%dma_start3A_37 : memref<8192x256xf32, #tpu.memory_space<hbm>>) target(%arg8 : memref<64x256xf32, #tpu.memory_space<vmem>>) offsets(%dma_start3A_34 : memref<64xi32, #tpu.memory_space<vmem>>) semaphore(%arg12 : memref<!tpu.dma_semaphore, #tpu.memory_space<semaphore_mem>>)
      %dma_start3A_38 = arith.constant 1 : i32
      %dma_start3A_39 = arith.constant 0 : i32
      %dma_start3A_40 = tpu.memref_slice %arg6[%dma_start3A_38, %dma_start3A_39] : memref<3x64xi32, #tpu.memory_space<vmem>> -> memref<1x64xi32, #tpu.memory_space<vmem>>
      %dma_start3A_41 = tpu.memref_squeeze %dma_start3A_40 : memref<1x64xi32, #tpu.memory_space<vmem>> -> memref<64xi32, #tpu.memory_space<vmem>>
      %dma_start3A_42 = arith.constant 0 : i32
      %dma_start3A_43 = arith.constant 0 : i32
      %dma_start3A_44 = tpu.memref_slice %arg2[%dma_start3A_42, %dma_start3A_43] : memref<8192x256xf32, #tpu.memory_space<hbm>> -> memref<8192x256xf32, #tpu.memory_space<hbm>>
      tpu.enqueue_indirect_dma source(%dma_start3A_44 : memref<8192x256xf32, #tpu.memory_space<hbm>>) target(%arg9 : memref<64x256xf32, #tpu.memory_space<vmem>>) offsets(%dma_start3A_41 : memref<64xi32, #tpu.memory_space<vmem>>) semaphore(%arg12 : memref<!tpu.dma_semaphore, #tpu.memory_space<semaphore_mem>>)
      %dma_start3A_45 = arith.constant 2 : i32
      %dma_start3A_46 = arith.constant 0 : i32
      %dma_start3A_47 = tpu.memref_slice %arg6[%dma_start3A_45, %dma_start3A_46] : memref<3x64xi32, #tpu.memory_space<vmem>> -> memref<1x64xi32, #tpu.memory_space<vmem>>
      %dma_start3A_48 = tpu.memref_squeeze %dma_start3A_47 : memref<1x64xi32, #tpu.memory_space<vmem>> -> memref<64xi32, #tpu.memory_space<vmem>>
      %dma_start3A_49 = arith.constant 0 : i32
      %dma_start3A_50 = arith.constant 0 : i32
      %dma_start3A_51 = tpu.memref_slice %arg2[%dma_start3A_49, %dma_start3A_50] : memref<8192x256xf32, #tpu.memory_space<hbm>> -> memref<8192x256xf32, #tpu.memory_space<hbm>>
      tpu.enqueue_indirect_dma source(%dma_start3A_51 : memref<8192x256xf32, #tpu.memory_space<hbm>>) target(%arg10 : memref<64x256xf32, #tpu.memory_space<vmem>>) offsets(%dma_start3A_48 : memref<64xi32, #tpu.memory_space<vmem>>) semaphore(%arg12 : memref<!tpu.dma_semaphore, #tpu.memory_space<semaphore_mem>>)
      %dma_wait3A = arith.constant 0 : i32
      %dma_wait3A_52 = arith.constant 0 : i32
      %dma_wait3A_53 = tpu.memref_slice %arg6[%dma_wait3A, %dma_wait3A_52] : memref<3x64xi32, #tpu.memory_space<vmem>> -> memref<1x64xi32, #tpu.memory_space<vmem>>
      %dma_wait3A_54 = tpu.memref_squeeze %dma_wait3A_53 : memref<1x64xi32, #tpu.memory_space<vmem>> -> memref<64xi32, #tpu.memory_space<vmem>>
      %dma_wait3A_55 = arith.constant 0 : i32
      %dma_wait3A_56 = arith.constant 0 : i32
      %dma_wait3A_57 = tpu.memref_slice %arg2[%dma_wait3A_55, %dma_wait3A_56] : memref<8192x256xf32, #tpu.memory_space<hbm>> -> memref<8192x256xf32, #tpu.memory_space<hbm>>
      tpu.wait_indirect_dma semaphore(%arg12 : memref<!tpu.dma_semaphore, #tpu.memory_space<semaphore_mem>>) src(%dma_wait3A_57 : memref<8192x256xf32, #tpu.memory_space<hbm>>) dst(%arg8 : memref<64x256xf32, #tpu.memory_space<vmem>>)
      %dma_wait3A_58 = arith.constant 1 : i32
      %dma_wait3A_59 = arith.constant 0 : i32
      %dma_wait3A_60 = tpu.memref_slice %arg6[%dma_wait3A_58, %dma_wait3A_59] : memref<3x64xi32, #tpu.memory_space<vmem>> -> memref<1x64xi32, #tpu.memory_space<vmem>>
      %dma_wait3A_61 = tpu.memref_squeeze %dma_wait3A_60 : memref<1x64xi32, #tpu.memory_space<vmem>> -> memref<64xi32, #tpu.memory_space<vmem>>
      %dma_wait3A_62 = arith.constant 0 : i32
      %dma_wait3A_63 = arith.constant 0 : i32
      %dma_wait3A_64 = tpu.memref_slice %arg2[%dma_wait3A_62, %dma_wait3A_63] : memref<8192x256xf32, #tpu.memory_space<hbm>> -> memref<8192x256xf32, #tpu.memory_space<hbm>>
      tpu.wait_indirect_dma semaphore(%arg12 : memref<!tpu.dma_semaphore, #tpu.memory_space<semaphore_mem>>) src(%dma_wait3A_64 : memref<8192x256xf32, #tpu.memory_space<hbm>>) dst(%arg9 : memref<64x256xf32, #tpu.memory_space<vmem>>)
      %dma_wait3A_65 = arith.constant 2 : i32
      %dma_wait3A_66 = arith.constant 0 : i32
      %dma_wait3A_67 = tpu.memref_slice %arg6[%dma_wait3A_65, %dma_wait3A_66] : memref<3x64xi32, #tpu.memory_space<vmem>> -> memref<1x64xi32, #tpu.memory_space<vmem>>
      %dma_wait3A_68 = tpu.memref_squeeze %dma_wait3A_67 : memref<1x64xi32, #tpu.memory_space<vmem>> -> memref<64xi32, #tpu.memory_space<vmem>>
      %dma_wait3A_69 = arith.constant 0 : i32
      %dma_wait3A_70 = arith.constant 0 : i32
      %dma_wait3A_71 = tpu.memref_slice %arg2[%dma_wait3A_69, %dma_wait3A_70] : memref<8192x256xf32, #tpu.memory_space<hbm>> -> memref<8192x256xf32, #tpu.memory_space<hbm>>
      tpu.wait_indirect_dma semaphore(%arg12 : memref<!tpu.dma_semaphore, #tpu.memory_space<semaphore_mem>>) src(%dma_wait3A_71 : memref<8192x256xf32, #tpu.memory_space<hbm>>) dst(%arg10 : memref<64x256xf32, #tpu.memory_space<vmem>>)
      %scan3A_72 = arith.constant 0 : i32
      %scan3A_73 = arith.constant 0 : i32
      %scan3A_74 = arith.constant 64 : i32
      %scan3A_75 = arith.addi %scan3A_73, %scan3A_74 : i32
      %scan3A_76 = arith.constant 1 : i32
      scf.for %scan3A_78 = %scan3A_73 to %scan3A_75 step %scan3A_76  : i32 {
        %add3A_79 = arith.constant 0 : i32
        %add3A_80 = arith.addi %add3A_79, %scan3A_78 : i32
        %mul3A_81 = arith.constant 16 : i32
        %mul3A_82 = arith.muli %add3A_80, %mul3A_81 : i32
        %get3A = arith.index_cast %mul3A_82 : i32 to index
        %get3A_83 = tpu.vector_load %arg7[%get3A] {strides = array<i32>} : memref<3072xf32, #tpu.memory_space<vmem>>, vector<16xf32>,
        %get3A_84 = vector.shape_cast %get3A_83 : vector<16xf32> to vector<16xf32>
        %add3A_85 = arith.constant 64 : i32
        %add3A_86 = arith.addi %add3A_85, %scan3A_78 : i32
        %mul3A_87 = arith.constant 16 : i32
        %mul3A_88 = arith.muli %add3A_86, %mul3A_87 : i32
        %get3A_89 = arith.index_cast %mul3A_88 : i32 to index
        %get3A_90 = tpu.vector_load %arg7[%get3A_89] {strides = array<i32>} : memref<3072xf32, #tpu.memory_space<vmem>>, vector<16xf32>,
        %get3A_91 = vector.shape_cast %get3A_90 : vector<16xf32> to vector<16xf32>
        %add3A_92 = arith.constant 128 : i32
        %add3A_93 = arith.addi %add3A_92, %scan3A_78 : i32
        %mul3A_94 = arith.constant 16 : i32
        %mul3A_95 = arith.muli %add3A_93, %mul3A_94 : i32
        %get3A_96 = arith.index_cast %mul3A_95 : i32 to index
        %get3A_97 = tpu.vector_load %arg7[%get3A_96] {strides = array<i32>} : memref<3072xf32, #tpu.memory_space<vmem>>, vector<16xf32>,
        %get3A_98 = vector.shape_cast %get3A_97 : vector<16xf32> to vector<16xf32>
        %get3A_99 = arith.index_cast %scan3A_78 : i32 to index
        %get3A_100 = arith.constant 0 : index
        %get3A_101 = tpu.vector_load %arg8[%get3A_99, %get3A_100] {strides = array<i32>} : memref<64x256xf32, #tpu.memory_space<vmem>>, vector<1x16xf32>,
        %get3A_102 = vector.shape_cast %get3A_101 : vector<1x16xf32> to vector<16xf32>
        %mul3A_103 = arith.mulf %get3A_84, %get3A_102 : vector<16xf32>
        %get3A_104 = arith.index_cast %scan3A_78 : i32 to index
        %get3A_105 = arith.constant 0 : index
        %get3A_106 = tpu.vector_load %arg9[%get3A_104, %get3A_105] {strides = array<i32>} : memref<64x256xf32, #tpu.memory_space<vmem>>, vector<1x16xf32>,
        %get3A_107 = vector.shape_cast %get3A_106 : vector<1x16xf32> to vector<16xf32>
        %mul3A_108 = arith.mulf %get3A_91, %get3A_107 : vector<16xf32>
        %add3A_109 = arith.addf %mul3A_103, %mul3A_108 : vector<16xf32>
        %get3A_110 = arith.index_cast %scan3A_78 : i32 to index
        %get3A_111 = arith.constant 0 : index
        %get3A_112 = tpu.vector_load %arg10[%get3A_110, %get3A_111] {strides = array<i32>} : memref<64x256xf32, #tpu.memory_space<vmem>>, vector<1x16xf32>,
        %get3A_113 = vector.shape_cast %get3A_112 : vector<1x16xf32> to vector<16xf32>
        %mul3A_114 = arith.mulf %get3A_98, %get3A_113 : vector<16xf32>
        %add3A_115 = arith.addf %add3A_109, %mul3A_114 : vector<16xf32>
        %swap3A = arith.index_cast %scan3A_78 : i32 to index
        %swap3A_116 = arith.constant 0 : index
        %swap3A_117 = tpu.vector_load %arg11[%swap3A, %swap3A_116] {strides = array<i32>} : memref<64x256xf32, #tpu.memory_space<vmem>>, vector<1x16xf32>,
        %swap3A_118 = vector.shape_cast %swap3A_117 : vector<1x16xf32> to vector<16xf32>
        %swap3A_119 = vector.shape_cast %add3A_115 : vector<16xf32> to vector<1x16xf32>
        tpu.vector_store %arg11[%swap3A, %swap3A_116], %swap3A_119 {strides = array<i32>} : memref<64x256xf32, #tpu.memory_space<vmem>>, vector<1x16xf32>,
        %get3A_120 = arith.index_cast %scan3A_78 : i32 to index
        %get3A_121 = arith.constant 16 : index
        %get3A_122 = tpu.vector_load %arg8[%get3A_120, %get3A_121] {strides = array<i32>} : memref<64x256xf32, #tpu.memory_space<vmem>>, vector<1x16xf32>,
        %get3A_123 = vector.shape_cast %get3A_122 : vector<1x16xf32> to vector<16xf32>
        %mul3A_124 = arith.mulf %get3A_84, %get3A_123 : vector<16xf32>
        %get3A_125 = arith.index_cast %scan3A_78 : i32 to index
        %get3A_126 = arith.constant 16 : index
        %get3A_127 = tpu.vector_load %arg9[%get3A_125, %get3A_126] {strides = array<i32>} : memref<64x256xf32, #tpu.memory_space<vmem>>, vector<1x16xf32>,
        %get3A_128 = vector.shape_cast %get3A_127 : vector<1x16xf32> to vector<16xf32>
        %mul3A_129 = arith.mulf %get3A_91, %get3A_128 : vector<16xf32>
        %add3A_130 = arith.addf %mul3A_124, %mul3A_129 : vector<16xf32>
        %get3A_131 = arith.index_cast %scan3A_78 : i32 to index
        %get3A_132 = arith.constant 16 : index
        %get3A_133 = tpu.vector_load %arg10[%get3A_131, %get3A_132] {strides = array<i32>} : memref<64x256xf32, #tpu.memory_space<vmem>>, vector<1x16xf32>,
        %get3A_134 = vector.shape_cast %get3A_133 : vector<1x16xf32> to vector<16xf32>
        %mul3A_135 = arith.mulf %get3A_98, %get3A_134 : vector<16xf32>
        %add3A_136 = arith.addf %add3A_130, %mul3A_135 : vector<16xf32>
        %swap3A_137 = arith.index_cast %scan3A_78 : i32 to index
        %swap3A_138 = arith.constant 16 : index
        %swap3A_139 = tpu.vector_load %arg11[%swap3A_137, %swap3A_138] {strides = array<i32>} : memref<64x256xf32, #tpu.memory_space<vmem>>, vector<1x16xf32>,
        %swap3A_140 = vector.shape_cast %swap3A_139 : vector<1x16xf32> to vector<16xf32>
        %swap3A_141 = vector.shape_cast %add3A_136 : vector<16xf32> to vector<1x16xf32>
        tpu.vector_store %arg11[%swap3A_137, %swap3A_138], %swap3A_141 {strides = array<i32>} : memref<64x256xf32, #tpu.memory_space<vmem>>, vector<1x16xf32>,
        %get3A_142 = arith.index_cast %scan3A_78 : i32 to index
        %get3A_143 = arith.constant 32 : index
        %get3A_144 = tpu.vector_load %arg8[%get3A_142, %get3A_143] {strides = array<i32>} : memref<64x256xf32, #tpu.memory_space<vmem>>, vector<1x16xf32>,
        %get3A_145 = vector.shape_cast %get3A_144 : vector<1x16xf32> to vector<16xf32>
        %mul3A_146 = arith.mulf %get3A_84, %get3A_145 : vector<16xf32>
        %get3A_147 = arith.index_cast %scan3A_78 : i32 to index
        %get3A_148 = arith.constant 32 : index
        %get3A_149 = tpu.vector_load %arg9[%get3A_147, %get3A_148] {strides = array<i32>} : memref<64x256xf32, #tpu.memory_space<vmem>>, vector<1x16xf32>,
        %get3A_150 = vector.shape_cast %get3A_149 : vector<1x16xf32> to vector<16xf32>
        %mul3A_151 = arith.mulf %get3A_91, %get3A_150 : vector<16xf32>
        %add3A_152 = arith.addf %mul3A_146, %mul3A_151 : vector<16xf32>
        %get3A_153 = arith.index_cast %scan3A_78 : i32 to index
        %get3A_154 = arith.constant 32 : index
        %get3A_155 = tpu.vector_load %arg10[%get3A_153, %get3A_154] {strides = array<i32>} : memref<64x256xf32, #tpu.memory_space<vmem>>, vector<1x16xf32>,
        %get3A_156 = vector.shape_cast %get3A_155 : vector<1x16xf32> to vector<16xf32>
        %mul3A_157 = arith.mulf %get3A_98, %get3A_156 : vector<16xf32>
        %add3A_158 = arith.addf %add3A_152, %mul3A_157 : vector<16xf32>
        %swap3A_159 = arith.index_cast %scan3A_78 : i32 to index
        %swap3A_160 = arith.constant 32 : index
        %swap3A_161 = tpu.vector_load %arg11[%swap3A_159, %swap3A_160] {strides = array<i32>} : memref<64x256xf32, #tpu.memory_space<vmem>>, vector<1x16xf32>,
        %swap3A_162 = vector.shape_cast %swap3A_161 : vector<1x16xf32> to vector<16xf32>
        %swap3A_163 = vector.shape_cast %add3A_158 : vector<16xf32> to vector<1x16xf32>
        tpu.vector_store %arg11[%swap3A_159, %swap3A_160], %swap3A_163 {strides = array<i32>} : memref<64x256xf32, #tpu.memory_space<vmem>>, vector<1x16xf32>,
        %get3A_164 = arith.index_cast %scan3A_78 : i32 to index
        %get3A_165 = arith.constant 48 : index
        %get3A_166 = tpu.vector_load %arg8[%get3A_164, %get3A_165] {strides = array<i32>} : memref<64x256xf32, #tpu.memory_space<vmem>>, vector<1x16xf32>,
        %get3A_167 = vector.shape_cast %get3A_166 : vector<1x16xf32> to vector<16xf32>
        %mul3A_168 = arith.mulf %get3A_84, %get3A_167 : vector<16xf32>
        %get3A_169 = arith.index_cast %scan3A_78 : i32 to index
        %get3A_170 = arith.constant 48 : index
        %get3A_171 = tpu.vector_load %arg9[%get3A_169, %get3A_170] {strides = array<i32>} : memref<64x256xf32, #tpu.memory_space<vmem>>, vector<1x16xf32>,
        %get3A_172 = vector.shape_cast %get3A_171 : vector<1x16xf32> to vector<16xf32>
        %mul3A_173 = arith.mulf %get3A_91, %get3A_172 : vector<16xf32>
        %add3A_174 = arith.addf %mul3A_168, %mul3A_173 : vector<16xf32>
        %get3A_175 = arith.index_cast %scan3A_78 : i32 to index
        %get3A_176 = arith.constant 48 : index
        %get3A_177 = tpu.vector_load %arg10[%get3A_175, %get3A_176] {strides = array<i32>} : memref<64x256xf32, #tpu.memory_space<vmem>>, vector<1x16xf32>,
        %get3A_178 = vector.shape_cast %get3A_177 : vector<1x16xf32> to vector<16xf32>
        %mul3A_179 = arith.mulf %get3A_98, %get3A_178 : vector<16xf32>
        %add3A_180 = arith.addf %add3A_174, %mul3A_179 : vector<16xf32>
        %swap3A_181 = arith.index_cast %scan3A_78 : i32 to index
        %swap3A_182 = arith.constant 48 : index
        %swap3A_183 = tpu.vector_load %arg11[%swap3A_181, %swap3A_182] {strides = array<i32>} : memref<64x256xf32, #tpu.memory_space<vmem>>, vector<1x16xf32>,
        %swap3A_184 = vector.shape_cast %swap3A_183 : vector<1x16xf32> to vector<16xf32>
        %swap3A_185 = vector.shape_cast %add3A_180 : vector<16xf32> to vector<1x16xf32>
        tpu.vector_store %arg11[%swap3A_181, %swap3A_182], %swap3A_185 {strides = array<i32>} : memref<64x256xf32, #tpu.memory_space<vmem>>, vector<1x16xf32>,
        %get3A_186 = arith.index_cast %scan3A_78 : i32 to index
        %get3A_187 = arith.constant 64 : index
        %get3A_188 = tpu.vector_load %arg8[%get3A_186, %get3A_187] {strides = array<i32>} : memref<64x256xf32, #tpu.memory_space<vmem>>, vector<1x16xf32>,
        %get3A_189 = vector.shape_cast %get3A_188 : vector<1x16xf32> to vector<16xf32>
        %mul3A_190 = arith.mulf %get3A_84, %get3A_189 : vector<16xf32>
        %get3A_191 = arith.index_cast %scan3A_78 : i32 to index
        %get3A_192 = arith.constant 64 : index
        %get3A_193 = tpu.vector_load %arg9[%get3A_191, %get3A_192] {strides = array<i32>} : memref<64x256xf32, #tpu.memory_space<vmem>>, vector<1x16xf32>,
        %get3A_194 = vector.shape_cast %get3A_193 : vector<1x16xf32> to vector<16xf32>
        %mul3A_195 = arith.mulf %get3A_91, %get3A_194 : vector<16xf32>
        %add3A_196 = arith.addf %mul3A_190, %mul3A_195 : vector<16xf32>
        %get3A_197 = arith.index_cast %scan3A_78 : i32 to index
        %get3A_198 = arith.constant 64 : index
        %get3A_199 = tpu.vector_load %arg10[%get3A_197, %get3A_198] {strides = array<i32>} : memref<64x256xf32, #tpu.memory_space<vmem>>, vector<1x16xf32>,
        %get3A_200 = vector.shape_cast %get3A_199 : vector<1x16xf32> to vector<16xf32>
        %mul3A_201 = arith.mulf %get3A_98, %get3A_200 : vector<16xf32>
        %add3A_202 = arith.addf %add3A_196, %mul3A_201 : vector<16xf32>
        %swap3A_203 = arith.index_cast %scan3A_78 : i32 to index
        %swap3A_204 = arith.constant 64 : index
        %swap3A_205 = tpu.vector_load %arg11[%swap3A_203, %swap3A_204] {strides = array<i32>} : memref<64x256xf32, #tpu.memory_space<vmem>>, vector<1x16xf32>,
        %swap3A_206 = vector.shape_cast %swap3A_205 : vector<1x16xf32> to vector<16xf32>
        %swap3A_207 = vector.shape_cast %add3A_202 : vector<16xf32> to vector<1x16xf32>
        tpu.vector_store %arg11[%swap3A_203, %swap3A_204], %swap3A_207 {strides = array<i32>} : memref<64x256xf32, #tpu.memory_space<vmem>>, vector<1x16xf32>,
        %get3A_208 = arith.index_cast %scan3A_78 : i32 to index
        %get3A_209 = arith.constant 80 : index
        %get3A_210 = tpu.vector_load %arg8[%get3A_208, %get3A_209] {strides = array<i32>} : memref<64x256xf32, #tpu.memory_space<vmem>>, vector<1x16xf32>,
        %get3A_211 = vector.shape_cast %get3A_210 : vector<1x16xf32> to vector<16xf32>
        %mul3A_212 = arith.mulf %get3A_84, %get3A_211 : vector<16xf32>
        %get3A_213 = arith.index_cast %scan3A_78 : i32 to index
        %get3A_214 = arith.constant 80 : index
        %get3A_215 = tpu.vector_load %arg9[%get3A_213, %get3A_214] {strides = array<i32>} : memref<64x256xf32, #tpu.memory_space<vmem>>, vector<1x16xf32>,
        %get3A_216 = vector.shape_cast %get3A_215 : vector<1x16xf32> to vector<16xf32>
        %mul3A_217 = arith.mulf %get3A_91, %get3A_216 : vector<16xf32>
        %add3A_218 = arith.addf %mul3A_212, %mul3A_217 : vector<16xf32>
        %get3A_219 = arith.index_cast %scan3A_78 : i32 to index
        %get3A_220 = arith.constant 80 : index
        %get3A_221 = tpu.vector_load %arg10[%get3A_219, %get3A_220] {strides = array<i32>} : memref<64x256xf32, #tpu.memory_space<vmem>>, vector<1x16xf32>,
        %get3A_222 = vector.shape_cast %get3A_221 : vector<1x16xf32> to vector<16xf32>
        %mul3A_223 = arith.mulf %get3A_98, %get3A_222 : vector<16xf32>
        %add3A_224 = arith.addf %add3A_218, %mul3A_223 : vector<16xf32>
        %swap3A_225 = arith.index_cast %scan3A_78 : i32 to index
        %swap3A_226 = arith.constant 80 : index
        %swap3A_227 = tpu.vector_load %arg11[%swap3A_225, %swap3A_226] {strides = array<i32>} : memref<64x256xf32, #tpu.memory_space<vmem>>, vector<1x16xf32>,
        %swap3A_228 = vector.shape_cast %swap3A_227 : vector<1x16xf32> to vector<16xf32>
        %swap3A_229 = vector.shape_cast %add3A_224 : vector<16xf32> to vector<1x16xf32>
        tpu.vector_store %arg11[%swap3A_225, %swap3A_226], %swap3A_229 {strides = array<i32>} : memref<64x256xf32, #tpu.memory_space<vmem>>, vector<1x16xf32>,
        %get3A_230 = arith.index_cast %scan3A_78 : i32 to index
        %get3A_231 = arith.constant 96 : index
        %get3A_232 = tpu.vector_load %arg8[%get3A_230, %get3A_231] {strides = array<i32>} : memref<64x256xf32, #tpu.memory_space<vmem>>, vector<1x16xf32>,
        %get3A_233 = vector.shape_cast %get3A_232 : vector<1x16xf32> to vector<16xf32>
        %mul3A_234 = arith.mulf %get3A_84, %get3A_233 : vector<16xf32>
        %get3A_235 = arith.index_cast %scan3A_78 : i32 to index
        %get3A_236 = arith.constant 96 : index
        %get3A_237 = tpu.vector_load %arg9[%get3A_235, %get3A_236] {strides = array<i32>} : memref<64x256xf32, #tpu.memory_space<vmem>>, vector<1x16xf32>,
        %get3A_238 = vector.shape_cast %get3A_237 : vector<1x16xf32> to vector<16xf32>
        %mul3A_239 = arith.mulf %get3A_91, %get3A_238 : vector<16xf32>
        %add3A_240 = arith.addf %mul3A_234, %mul3A_239 : vector<16xf32>
        %get3A_241 = arith.index_cast %scan3A_78 : i32 to index
        %get3A_242 = arith.constant 96 : index
        %get3A_243 = tpu.vector_load %arg10[%get3A_241, %get3A_242] {strides = array<i32>} : memref<64x256xf32, #tpu.memory_space<vmem>>, vector<1x16xf32>,
        %get3A_244 = vector.shape_cast %get3A_243 : vector<1x16xf32> to vector<16xf32>
        %mul3A_245 = arith.mulf %get3A_98, %get3A_244 : vector<16xf32>
        %add3A_246 = arith.addf %add3A_240, %mul3A_245 : vector<16xf32>
        %swap3A_247 = arith.index_cast %scan3A_78 : i32 to index
        %swap3A_248 = arith.constant 96 : index
        %swap3A_249 = tpu.vector_load %arg11[%swap3A_247, %swap3A_248] {strides = array<i32>} : memref<64x256xf32, #tpu.memory_space<vmem>>, vector<1x16xf32>,
        %swap3A_250 = vector.shape_cast %swap3A_249 : vector<1x16xf32> to vector<16xf32>
        %swap3A_251 = vector.shape_cast %add3A_246 : vector<16xf32> to vector<1x16xf32>
        tpu.vector_store %arg11[%swap3A_247, %swap3A_248], %swap3A_251 {strides = array<i32>} : memref<64x256xf32, #tpu.memory_space<vmem>>, vector<1x16xf32>,
        %get3A_252 = arith.index_cast %scan3A_78 : i32 to index
        %get3A_253 = arith.constant 112 : index
        %get3A_254 = tpu.vector_load %arg8[%get3A_252, %get3A_253] {strides = array<i32>} : memref<64x256xf32, #tpu.memory_space<vmem>>, vector<1x16xf32>,
        %get3A_255 = vector.shape_cast %get3A_254 : vector<1x16xf32> to vector<16xf32>
        %mul3A_256 = arith.mulf %get3A_84, %get3A_255 : vector<16xf32>
        %get3A_257 = arith.index_cast %scan3A_78 : i32 to index
        %get3A_258 = arith.constant 112 : index
        %get3A_259 = tpu.vector_load %arg9[%get3A_257, %get3A_258] {strides = array<i32>} : memref<64x256xf32, #tpu.memory_space<vmem>>, vector<1x16xf32>,
        %get3A_260 = vector.shape_cast %get3A_259 : vector<1x16xf32> to vector<16xf32>
        %mul3A_261 = arith.mulf %get3A_91, %get3A_260 : vector<16xf32>
        %add3A_262 = arith.addf %mul3A_256, %mul3A_261 : vector<16xf32>
        %get3A_263 = arith.index_cast %scan3A_78 : i32 to index
        %get3A_264 = arith.constant 112 : index
        %get3A_265 = tpu.vector_load %arg10[%get3A_263, %get3A_264] {strides = array<i32>} : memref<64x256xf32, #tpu.memory_space<vmem>>, vector<1x16xf32>,
        %get3A_266 = vector.shape_cast %get3A_265 : vector<1x16xf32> to vector<16xf32>
        %mul3A_267 = arith.mulf %get3A_98, %get3A_266 : vector<16xf32>
        %add3A_268 = arith.addf %add3A_262, %mul3A_267 : vector<16xf32>
        %swap3A_269 = arith.index_cast %scan3A_78 : i32 to index
        %swap3A_270 = arith.constant 112 : index
        %swap3A_271 = tpu.vector_load %arg11[%swap3A_269, %swap3A_270] {strides = array<i32>} : memref<64x256xf32, #tpu.memory_space<vmem>>, vector<1x16xf32>,
        %swap3A_272 = vector.shape_cast %swap3A_271 : vector<1x16xf32> to vector<16xf32>
        %swap3A_273 = vector.shape_cast %add3A_268 : vector<16xf32> to vector<1x16xf32>
        tpu.vector_store %arg11[%swap3A_269, %swap3A_270], %swap3A_273 {strides = array<i32>} : memref<64x256xf32, #tpu.memory_space<vmem>>, vector<1x16xf32>,
        %get3A_274 = arith.index_cast %scan3A_78 : i32 to index
        %get3A_275 = arith.constant 128 : index
        %get3A_276 = tpu.vector_load %arg8[%get3A_274, %get3A_275] {strides = array<i32>} : memref<64x256xf32, #tpu.memory_space<vmem>>, vector<1x16xf32>,
        %get3A_277 = vector.shape_cast %get3A_276 : vector<1x16xf32> to vector<16xf32>
        %mul3A_278 = arith.mulf %get3A_84, %get3A_277 : vector<16xf32>
        %get3A_279 = arith.index_cast %scan3A_78 : i32 to index
        %get3A_280 = arith.constant 128 : index
        %get3A_281 = tpu.vector_load %arg9[%get3A_279, %get3A_280] {strides = array<i32>} : memref<64x256xf32, #tpu.memory_space<vmem>>, vector<1x16xf32>,
        %get3A_282 = vector.shape_cast %get3A_281 : vector<1x16xf32> to vector<16xf32>
        %mul3A_283 = arith.mulf %get3A_91, %get3A_282 : vector<16xf32>
        %add3A_284 = arith.addf %mul3A_278, %mul3A_283 : vector<16xf32>
        %get3A_285 = arith.index_cast %scan3A_78 : i32 to index
        %get3A_286 = arith.constant 128 : index
        %get3A_287 = tpu.vector_load %arg10[%get3A_285, %get3A_286] {strides = array<i32>} : memref<64x256xf32, #tpu.memory_space<vmem>>, vector<1x16xf32>,
        %get3A_288 = vector.shape_cast %get3A_287 : vector<1x16xf32> to vector<16xf32>
        %mul3A_289 = arith.mulf %get3A_98, %get3A_288 : vector<16xf32>
        %add3A_290 = arith.addf %add3A_284, %mul3A_289 : vector<16xf32>
        %swap3A_291 = arith.index_cast %scan3A_78 : i32 to index
        %swap3A_292 = arith.constant 128 : index
        %swap3A_293 = tpu.vector_load %arg11[%swap3A_291, %swap3A_292] {strides = array<i32>} : memref<64x256xf32, #tpu.memory_space<vmem>>, vector<1x16xf32>,
        %swap3A_294 = vector.shape_cast %swap3A_293 : vector<1x16xf32> to vector<16xf32>
        %swap3A_295 = vector.shape_cast %add3A_290 : vector<16xf32> to vector<1x16xf32>
        tpu.vector_store %arg11[%swap3A_291, %swap3A_292], %swap3A_295 {strides = array<i32>} : memref<64x256xf32, #tpu.memory_space<vmem>>, vector<1x16xf32>,
        %get3A_296 = arith.index_cast %scan3A_78 : i32 to index
        %get3A_297 = arith.constant 144 : index
        %get3A_298 = tpu.vector_load %arg8[%get3A_296, %get3A_297] {strides = array<i32>} : memref<64x256xf32, #tpu.memory_space<vmem>>, vector<1x16xf32>,
        %get3A_299 = vector.shape_cast %get3A_298 : vector<1x16xf32> to vector<16xf32>
        %mul3A_300 = arith.mulf %get3A_84, %get3A_299 : vector<16xf32>
        %get3A_301 = arith.index_cast %scan3A_78 : i32 to index
        %get3A_302 = arith.constant 144 : index
        %get3A_303 = tpu.vector_load %arg9[%get3A_301, %get3A_302] {strides = array<i32>} : memref<64x256xf32, #tpu.memory_space<vmem>>, vector<1x16xf32>,
        %get3A_304 = vector.shape_cast %get3A_303 : vector<1x16xf32> to vector<16xf32>
        %mul3A_305 = arith.mulf %get3A_91, %get3A_304 : vector<16xf32>
        %add3A_306 = arith.addf %mul3A_300, %mul3A_305 : vector<16xf32>
        %get3A_307 = arith.index_cast %scan3A_78 : i32 to index
        %get3A_308 = arith.constant 144 : index
        %get3A_309 = tpu.vector_load %arg10[%get3A_307, %get3A_308] {strides = array<i32>} : memref<64x256xf32, #tpu.memory_space<vmem>>, vector<1x16xf32>,
        %get3A_310 = vector.shape_cast %get3A_309 : vector<1x16xf32> to vector<16xf32>
        %mul3A_311 = arith.mulf %get3A_98, %get3A_310 : vector<16xf32>
        %add3A_312 = arith.addf %add3A_306, %mul3A_311 : vector<16xf32>
        %swap3A_313 = arith.index_cast %scan3A_78 : i32 to index
        %swap3A_314 = arith.constant 144 : index
        %swap3A_315 = tpu.vector_load %arg11[%swap3A_313, %swap3A_314] {strides = array<i32>} : memref<64x256xf32, #tpu.memory_space<vmem>>, vector<1x16xf32>,
        %swap3A_316 = vector.shape_cast %swap3A_315 : vector<1x16xf32> to vector<16xf32>
        %swap3A_317 = vector.shape_cast %add3A_312 : vector<16xf32> to vector<1x16xf32>
        tpu.vector_store %arg11[%swap3A_313, %swap3A_314], %swap3A_317 {strides = array<i32>} : memref<64x256xf32, #tpu.memory_space<vmem>>, vector<1x16xf32>,
        %get3A_318 = arith.index_cast %scan3A_78 : i32 to index
        %get3A_319 = arith.constant 160 : index
        %get3A_320 = tpu.vector_load %arg8[%get3A_318, %get3A_319] {strides = array<i32>} : memref<64x256xf32, #tpu.memory_space<vmem>>, vector<1x16xf32>,
        %get3A_321 = vector.shape_cast %get3A_320 : vector<1x16xf32> to vector<16xf32>
        %mul3A_322 = arith.mulf %get3A_84, %get3A_321 : vector<16xf32>
        %get3A_323 = arith.index_cast %scan3A_78 : i32 to index
        %get3A_324 = arith.constant 160 : index
        %get3A_325 = tpu.vector_load %arg9[%get3A_323, %get3A_324] {strides = array<i32>} : memref<64x256xf32, #tpu.memory_space<vmem>>, vector<1x16xf32>,
        %get3A_326 = vector.shape_cast %get3A_325 : vector<1x16xf32> to vector<16xf32>
        %mul3A_327 = arith.mulf %get3A_91, %get3A_326 : vector<16xf32>
        %add3A_328 = arith.addf %mul3A_322, %mul3A_327 : vector<16xf32>
        %get3A_329 = arith.index_cast %scan3A_78 : i32 to index
        %get3A_330 = arith.constant 160 : index
        %get3A_331 = tpu.vector_load %arg10[%get3A_329, %get3A_330] {strides = array<i32>} : memref<64x256xf32, #tpu.memory_space<vmem>>, vector<1x16xf32>,
        %get3A_332 = vector.shape_cast %get3A_331 : vector<1x16xf32> to vector<16xf32>
        %mul3A_333 = arith.mulf %get3A_98, %get3A_332 : vector<16xf32>
        %add3A_334 = arith.addf %add3A_328, %mul3A_333 : vector<16xf32>
        %swap3A_335 = arith.index_cast %scan3A_78 : i32 to index
        %swap3A_336 = arith.constant 160 : index
        %swap3A_337 = tpu.vector_load %arg11[%swap3A_335, %swap3A_336] {strides = array<i32>} : memref<64x256xf32, #tpu.memory_space<vmem>>, vector<1x16xf32>,
        %swap3A_338 = vector.shape_cast %swap3A_337 : vector<1x16xf32> to vector<16xf32>
        %swap3A_339 = vector.shape_cast %add3A_334 : vector<16xf32> to vector<1x16xf32>
        tpu.vector_store %arg11[%swap3A_335, %swap3A_336], %swap3A_339 {strides = array<i32>} : memref<64x256xf32, #tpu.memory_space<vmem>>, vector<1x16xf32>,
        %get3A_340 = arith.index_cast %scan3A_78 : i32 to index
        %get3A_341 = arith.constant 176 : index
        %get3A_342 = tpu.vector_load %arg8[%get3A_340, %get3A_341] {strides = array<i32>} : memref<64x256xf32, #tpu.memory_space<vmem>>, vector<1x16xf32>,
        %get3A_343 = vector.shape_cast %get3A_342 : vector<1x16xf32> to vector<16xf32>
        %mul3A_344 = arith.mulf %get3A_84, %get3A_343 : vector<16xf32>
        %get3A_345 = arith.index_cast %scan3A_78 : i32 to index
        %get3A_346 = arith.constant 176 : index
        %get3A_347 = tpu.vector_load %arg9[%get3A_345, %get3A_346] {strides = array<i32>} : memref<64x256xf32, #tpu.memory_space<vmem>>, vector<1x16xf32>,
        %get3A_348 = vector.shape_cast %get3A_347 : vector<1x16xf32> to vector<16xf32>
        %mul3A_349 = arith.mulf %get3A_91, %get3A_348 : vector<16xf32>
        %add3A_350 = arith.addf %mul3A_344, %mul3A_349 : vector<16xf32>
        %get3A_351 = arith.index_cast %scan3A_78 : i32 to index
        %get3A_352 = arith.constant 176 : index
        %get3A_353 = tpu.vector_load %arg10[%get3A_351, %get3A_352] {strides = array<i32>} : memref<64x256xf32, #tpu.memory_space<vmem>>, vector<1x16xf32>,
        %get3A_354 = vector.shape_cast %get3A_353 : vector<1x16xf32> to vector<16xf32>
        %mul3A_355 = arith.mulf %get3A_98, %get3A_354 : vector<16xf32>
        %add3A_356 = arith.addf %add3A_350, %mul3A_355 : vector<16xf32>
        %swap3A_357 = arith.index_cast %scan3A_78 : i32 to index
        %swap3A_358 = arith.constant 176 : index
        %swap3A_359 = tpu.vector_load %arg11[%swap3A_357, %swap3A_358] {strides = array<i32>} : memref<64x256xf32, #tpu.memory_space<vmem>>, vector<1x16xf32>,
        %swap3A_360 = vector.shape_cast %swap3A_359 : vector<1x16xf32> to vector<16xf32>
        %swap3A_361 = vector.shape_cast %add3A_356 : vector<16xf32> to vector<1x16xf32>
        tpu.vector_store %arg11[%swap3A_357, %swap3A_358], %swap3A_361 {strides = array<i32>} : memref<64x256xf32, #tpu.memory_space<vmem>>, vector<1x16xf32>,
        %get3A_362 = arith.index_cast %scan3A_78 : i32 to index
        %get3A_363 = arith.constant 192 : index
        %get3A_364 = tpu.vector_load %arg8[%get3A_362, %get3A_363] {strides = array<i32>} : memref<64x256xf32, #tpu.memory_space<vmem>>, vector<1x16xf32>,
        %get3A_365 = vector.shape_cast %get3A_364 : vector<1x16xf32> to vector<16xf32>
        %mul3A_366 = arith.mulf %get3A_84, %get3A_365 : vector<16xf32>
        %get3A_367 = arith.index_cast %scan3A_78 : i32 to index
        %get3A_368 = arith.constant 192 : index
        %get3A_369 = tpu.vector_load %arg9[%get3A_367, %get3A_368] {strides = array<i32>} : memref<64x256xf32, #tpu.memory_space<vmem>>, vector<1x16xf32>,
        %get3A_370 = vector.shape_cast %get3A_369 : vector<1x16xf32> to vector<16xf32>
        %mul3A_371 = arith.mulf %get3A_91, %get3A_370 : vector<16xf32>
        %add3A_372 = arith.addf %mul3A_366, %mul3A_371 : vector<16xf32>
        %get3A_373 = arith.index_cast %scan3A_78 : i32 to index
        %get3A_374 = arith.constant 192 : index
        %get3A_375 = tpu.vector_load %arg10[%get3A_373, %get3A_374] {strides = array<i32>} : memref<64x256xf32, #tpu.memory_space<vmem>>, vector<1x16xf32>,
        %get3A_376 = vector.shape_cast %get3A_375 : vector<1x16xf32> to vector<16xf32>
        %mul3A_377 = arith.mulf %get3A_98, %get3A_376 : vector<16xf32>
        %add3A_378 = arith.addf %add3A_372, %mul3A_377 : vector<16xf32>
        %swap3A_379 = arith.index_cast %scan3A_78 : i32 to index
        %swap3A_380 = arith.constant 192 : index
        %swap3A_381 = tpu.vector_load %arg11[%swap3A_379, %swap3A_380] {strides = array<i32>} : memref<64x256xf32, #tpu.memory_space<vmem>>, vector<1x16xf32>,
        %swap3A_382 = vector.shape_cast %swap3A_381 : vector<1x16xf32> to vector<16xf32>
        %swap3A_383 = vector.shape_cast %add3A_378 : vector<16xf32> to vector<1x16xf32>
        tpu.vector_store %arg11[%swap3A_379, %swap3A_380], %swap3A_383 {strides = array<i32>} : memref<64x256xf32, #tpu.memory_space<vmem>>, vector<1x16xf32>,
        %get3A_384 = arith.index_cast %scan3A_78 : i32 to index
        %get3A_385 = arith.constant 208 : index
        %get3A_386 = tpu.vector_load %arg8[%get3A_384, %get3A_385] {strides = array<i32>} : memref<64x256xf32, #tpu.memory_space<vmem>>, vector<1x16xf32>,
        %get3A_387 = vector.shape_cast %get3A_386 : vector<1x16xf32> to vector<16xf32>
        %mul3A_388 = arith.mulf %get3A_84, %get3A_387 : vector<16xf32>
        %get3A_389 = arith.index_cast %scan3A_78 : i32 to index
        %get3A_390 = arith.constant 208 : index
        %get3A_391 = tpu.vector_load %arg9[%get3A_389, %get3A_390] {strides = array<i32>} : memref<64x256xf32, #tpu.memory_space<vmem>>, vector<1x16xf32>,
        %get3A_392 = vector.shape_cast %get3A_391 : vector<1x16xf32> to vector<16xf32>
        %mul3A_393 = arith.mulf %get3A_91, %get3A_392 : vector<16xf32>
        %add3A_394 = arith.addf %mul3A_388, %mul3A_393 : vector<16xf32>
        %get3A_395 = arith.index_cast %scan3A_78 : i32 to index
        %get3A_396 = arith.constant 208 : index
        %get3A_397 = tpu.vector_load %arg10[%get3A_395, %get3A_396] {strides = array<i32>} : memref<64x256xf32, #tpu.memory_space<vmem>>, vector<1x16xf32>,
        %get3A_398 = vector.shape_cast %get3A_397 : vector<1x16xf32> to vector<16xf32>
        %mul3A_399 = arith.mulf %get3A_98, %get3A_398 : vector<16xf32>
        %add3A_400 = arith.addf %add3A_394, %mul3A_399 : vector<16xf32>
        %swap3A_401 = arith.index_cast %scan3A_78 : i32 to index
        %swap3A_402 = arith.constant 208 : index
        %swap3A_403 = tpu.vector_load %arg11[%swap3A_401, %swap3A_402] {strides = array<i32>} : memref<64x256xf32, #tpu.memory_space<vmem>>, vector<1x16xf32>,
        %swap3A_404 = vector.shape_cast %swap3A_403 : vector<1x16xf32> to vector<16xf32>
        %swap3A_405 = vector.shape_cast %add3A_400 : vector<16xf32> to vector<1x16xf32>
        tpu.vector_store %arg11[%swap3A_401, %swap3A_402], %swap3A_405 {strides = array<i32>} : memref<64x256xf32, #tpu.memory_space<vmem>>, vector<1x16xf32>,
        %get3A_406 = arith.index_cast %scan3A_78 : i32 to index
        %get3A_407 = arith.constant 224 : index
        %get3A_408 = tpu.vector_load %arg8[%get3A_406, %get3A_407] {strides = array<i32>} : memref<64x256xf32, #tpu.memory_space<vmem>>, vector<1x16xf32>,
        %get3A_409 = vector.shape_cast %get3A_408 : vector<1x16xf32> to vector<16xf32>
        %mul3A_410 = arith.mulf %get3A_84, %get3A_409 : vector<16xf32>
        %get3A_411 = arith.index_cast %scan3A_78 : i32 to index
        %get3A_412 = arith.constant 224 : index
        %get3A_413 = tpu.vector_load %arg9[%get3A_411, %get3A_412] {strides = array<i32>} : memref<64x256xf32, #tpu.memory_space<vmem>>, vector<1x16xf32>,
        %get3A_414 = vector.shape_cast %get3A_413 : vector<1x16xf32> to vector<16xf32>
        %mul3A_415 = arith.mulf %get3A_91, %get3A_414 : vector<16xf32>
        %add3A_416 = arith.addf %mul3A_410, %mul3A_415 : vector<16xf32>
        %get3A_417 = arith.index_cast %scan3A_78 : i32 to index
        %get3A_418 = arith.constant 224 : index
        %get3A_419 = tpu.vector_load %arg10[%get3A_417, %get3A_418] {strides = array<i32>} : memref<64x256xf32, #tpu.memory_space<vmem>>, vector<1x16xf32>,
        %get3A_420 = vector.shape_cast %get3A_419 : vector<1x16xf32> to vector<16xf32>
        %mul3A_421 = arith.mulf %get3A_98, %get3A_420 : vector<16xf32>
        %add3A_422 = arith.addf %add3A_416, %mul3A_421 : vector<16xf32>
        %swap3A_423 = arith.index_cast %scan3A_78 : i32 to index
        %swap3A_424 = arith.constant 224 : index
        %swap3A_425 = tpu.vector_load %arg11[%swap3A_423, %swap3A_424] {strides = array<i32>} : memref<64x256xf32, #tpu.memory_space<vmem>>, vector<1x16xf32>,
        %swap3A_426 = vector.shape_cast %swap3A_425 : vector<1x16xf32> to vector<16xf32>
        %swap3A_427 = vector.shape_cast %add3A_422 : vector<16xf32> to vector<1x16xf32>
        tpu.vector_store %arg11[%swap3A_423, %swap3A_424], %swap3A_427 {strides = array<i32>} : memref<64x256xf32, #tpu.memory_space<vmem>>, vector<1x16xf32>,
        %get3A_428 = arith.index_cast %scan3A_78 : i32 to index
        %get3A_429 = arith.constant 240 : index
        %get3A_430 = tpu.vector_load %arg8[%get3A_428, %get3A_429] {strides = array<i32>} : memref<64x256xf32, #tpu.memory_space<vmem>>, vector<1x16xf32>,
        %get3A_431 = vector.shape_cast %get3A_430 : vector<1x16xf32> to vector<16xf32>
        %mul3A_432 = arith.mulf %get3A_84, %get3A_431 : vector<16xf32>
        %get3A_433 = arith.index_cast %scan3A_78 : i32 to index
        %get3A_434 = arith.constant 240 : index
        %get3A_435 = tpu.vector_load %arg9[%get3A_433, %get3A_434] {strides = array<i32>} : memref<64x256xf32, #tpu.memory_space<vmem>>, vector<1x16xf32>,
        %get3A_436 = vector.shape_cast %get3A_435 : vector<1x16xf32> to vector<16xf32>
        %mul3A_437 = arith.mulf %get3A_91, %get3A_436 : vector<16xf32>
        %add3A_438 = arith.addf %mul3A_432, %mul3A_437 : vector<16xf32>
        %get3A_439 = arith.index_cast %scan3A_78 : i32 to index
        %get3A_440 = arith.constant 240 : index
        %get3A_441 = tpu.vector_load %arg10[%get3A_439, %get3A_440] {strides = array<i32>} : memref<64x256xf32, #tpu.memory_space<vmem>>, vector<1x16xf32>,
        %get3A_442 = vector.shape_cast %get3A_441 : vector<1x16xf32> to vector<16xf32>
        %mul3A_443 = arith.mulf %get3A_98, %get3A_442 : vector<16xf32>
        %add3A_444 = arith.addf %add3A_438, %mul3A_443 : vector<16xf32>
        %swap3A_445 = arith.index_cast %scan3A_78 : i32 to index
        %swap3A_446 = arith.constant 240 : index
        %swap3A_447 = tpu.vector_load %arg11[%swap3A_445, %swap3A_446] {strides = array<i32>} : memref<64x256xf32, #tpu.memory_space<vmem>>, vector<1x16xf32>,
        %swap3A_448 = vector.shape_cast %swap3A_447 : vector<1x16xf32> to vector<16xf32>
        %swap3A_449 = vector.shape_cast %add3A_444 : vector<16xf32> to vector<1x16xf32>
        tpu.vector_store %arg11[%swap3A_445, %swap3A_446], %swap3A_449 {strides = array<i32>} : memref<64x256xf32, #tpu.memory_space<vmem>>, vector<1x16xf32>,
      }
      %scan3A_77 = arith.constant 64 : i32
      "tpu.region"() ({
        %run_scoped3A_78 = tpu.sem_alloc : memref<!tpu.dma_semaphore, #tpu.memory_space<semaphore_mem>>
        %dma_start3A_79 = arith.constant 0 : i32
        %dma_start3A_80 = tpu.memref_slice %arg5[%add3A_11, %dma_start3A_79] : memref<32768x256xf32, #tpu.memory_space<hbm>> -> memref<64x256xf32, #tpu.memory_space<hbm>>
        %dma_start3A_81 = arith.constant 0 : i32
        %dma_start3A_82 = tpu.memref_slice %arg5[%add3A_11, %dma_start3A_81] : memref<32768x256xf32, #tpu.memory_space<hbm>> -> memref<64x256xf32, #tpu.memory_space<hbm>>
        tpu.enqueue_dma source(%arg11 : memref<64x256xf32, #tpu.memory_space<vmem>>) target(%dma_start3A_82 : memref<64x256xf32, #tpu.memory_space<hbm>>) target_semaphore(%run_scoped3A_78 : memref<!tpu.dma_semaphore, #tpu.memory_space<semaphore_mem>>)
        %dma_wait3A_83 = arith.constant 0 : i32
        %dma_wait3A_84 = tpu.memref_slice %arg5[%add3A_11, %dma_wait3A_83] : memref<32768x256xf32, #tpu.memory_space<hbm>> -> memref<64x256xf32, #tpu.memory_space<hbm>>
        %dma_wait3A_85 = arith.constant 0 : i32
        %dma_wait3A_86 = tpu.memref_slice %arg5[%add3A_11, %dma_wait3A_85] : memref<32768x256xf32, #tpu.memory_space<hbm>> -> memref<64x256xf32, #tpu.memory_space<hbm>>
        tpu.wait_dma2 semaphore(%run_scoped3A_78 : memref<!tpu.dma_semaphore, #tpu.memory_space<semaphore_mem>>) src(%arg11 : memref<64x256xf32, #tpu.memory_space<vmem>>) dst(%dma_wait3A_86 : memref<64x256xf32, #tpu.memory_space<hbm>>)
        tpu.yield
      }) : () -> ()
    }
    %scan3A_7 = arith.constant 16 : i32
    return
  }
}

module attributes {stable_mosaic.version = 14 : i64} {
  func.func @_k1nn(%arg0: i32, %arg1: i32, %arg2: memref<1x1024x3xf32, #tpu.memory_space<vmem>>, %arg3: memref<1x3x1024xf32, #tpu.memory_space<vmem>>, %arg4: memref<3x1024xi32, #tpu.memory_space<vmem>>, %arg5: memref<3x1024x16xf32, #tpu.memory_space<vmem>>) attributes {dimension_semantics = [#tpu.dimension_semantics<arbitrary>, #tpu.dimension_semantics<arbitrary>], iteration_bounds = array<i64: 8, 4>, scalar_prefetch = 0 : i64, scratch_operands = 0 : i64, tpu.core_type = #tpu.core_type<tc>, window_params = [{transform_indices = @transform_0, window_bounds = array<i64: 1, 1024, 3>}, {transform_indices = @transform_1, window_bounds = array<i64: 1, 3, 1024>}, {transform_indices = @transform_2, window_bounds = array<i64: 3, 1024>}, {transform_indices = @transform_3, window_bounds = array<i64: 3, 1024, 16>}]} {
    %get3A = arith.constant 0 : index
    %get3A_0 = arith.constant 0 : index
    %get3A_1 = arith.constant 0 : index
    %get3A_2 = vector.load %arg2[%get3A, %get3A_0, %get3A_1] : memref<1x1024x3xf32, #tpu.memory_space<vmem>>, vector<1x1024x3xf32>
    %get3A_3 = vector.shape_cast %get3A_2 : vector<1x1024x3xf32> to vector<1024x3xf32>
    %get3A_4 = arith.constant 0 : index
    %get3A_5 = arith.constant 0 : index
    %get3A_6 = arith.constant 0 : index
    %get3A_7 = vector.load %arg3[%get3A_4, %get3A_5, %get3A_6] : memref<1x3x1024xf32, #tpu.memory_space<vmem>>, vector<1x3x1024xf32>
    %get3A_8 = vector.shape_cast %get3A_7 : vector<1x3x1024xf32> to vector<3x1024xf32>
    %mul3A = arith.mulf %get3A_3, %get3A_3 : vector<1024x3xf32>
    %reduce_sum3A = arith.constant dense<0.000000e+00> : vector<1024xf32>
    %reduce_sum3A_9 = vector.multi_reduction <add>, %mul3A, %reduce_sum3A [1] : vector<1024x3xf32> to vector<1024xf32>
    %broadcast_in_dim3A = vector.shape_cast %reduce_sum3A_9 : vector<1024xf32> to vector<1024x1xf32>
    %mul3A_10 = arith.mulf %get3A_8, %get3A_8 : vector<3x1024xf32>
    %reduce_sum3A_11 = arith.constant dense<0.000000e+00> : vector<1024xf32>
    %reduce_sum3A_12 = vector.multi_reduction <add>, %mul3A_10, %reduce_sum3A_11 [0] : vector<3x1024xf32> to vector<1024xf32>
    %broadcast_in_dim3A_13 = vector.shape_cast %reduce_sum3A_12 : vector<1024xf32> to vector<1x1024xf32>
    %broadcast_in_dim3A_14 = arith.constant 1.000000e+00 : f32
    %broadcast_in_dim3A_15 = vector.broadcast %broadcast_in_dim3A_14 : f32 to vector<1024x1xf32>
    %concatenate3A = tpu.concatenate %get3A_3, %broadcast_in_dim3A, %broadcast_in_dim3A_15 in 1 : vector<1024x3xf32>, vector<1024x1xf32>, vector<1024x1xf32> -> vector<1024x5xf32>
    %mul3A_16 = arith.constant -2.000000e+00 : f32
    %mul3A_17 = vector.broadcast %mul3A_16 : f32 to vector<3x1024xf32>
    %mul3A_18 = arith.mulf %mul3A_17, %get3A_8 : vector<3x1024xf32>
    %broadcast_in_dim3A_19 = arith.constant 1.000000e+00 : f32
    %broadcast_in_dim3A_20 = vector.broadcast %broadcast_in_dim3A_19 : f32 to vector<1x1024xf32>
    %concatenate3A_21 = tpu.concatenate %mul3A_18, %broadcast_in_dim3A_20, %broadcast_in_dim3A_13 in 0 : vector<3x1024xf32>, vector<1x1024xf32>, vector<1x1024xf32> -> vector<5x1024xf32>
    %dot_general3A = arith.constant dense<0.000000e+00> : vector<1024x1024xf32>
    %dot_general3A_22 = tpu.matmul %concatenate3A, %concatenate3A_21, %dot_general3A {dimension_numbers = #tpu.dot_dimension_numbers<[1], [0], [0], [1], [0, 0, 1, 1], [], []>, precision = #tpu.contract_precision<fp32>, transpose_lhs_hint = false} : vector<1024x5xf32>, vector<5x1024xf32>, vector<1024x1024xf32> -> vector<1024x1024xf32>
    %iota3A = tpu.iota {dimensions = array<i32: 0>} : vector<1024x1024xi32>
    %reduce_min3A = arith.constant dense<0x7F800000> : vector<1024xf32>
    %reduce_min3A_23 = vector.multi_reduction <minimumf>, %dot_general3A_22, %reduce_min3A [0] : vector<1024x1024xf32> to vector<1024xf32>
    %broadcast_in_dim3A_24 = vector.shape_cast %reduce_min3A_23 : vector<1024xf32> to vector<1x1024xf32>
    %gt3A = vector.broadcast %broadcast_in_dim3A_24 : vector<1x1024xf32> to vector<1024x1024xf32>
    %gt3A_25 = arith.cmpf ogt, %dot_general3A_22, %gt3A : vector<1024x1024xf32>
    %jit3A = arith.constant 0x7F800000 : f32
    %broadcast_in_dim3A_26 = vector.broadcast %jit3A : f32 to vector<1024x1024xf32>
    %select_n3A = arith.select %gt3A_25, %dot_general3A_22, %broadcast_in_dim3A_26 : vector<1024x1024xi1>, vector<1024x1024xf32>
    %reduce_min3A_27 = arith.constant dense<0x7F800000> : vector<1024xf32>
    %reduce_min3A_28 = vector.multi_reduction <minimumf>, %select_n3A, %reduce_min3A_27 [0] : vector<1024x1024xf32> to vector<1024xf32>
    %broadcast_in_dim3A_29 = vector.shape_cast %reduce_min3A_28 : vector<1024xf32> to vector<1x1024xf32>
    %gt3A_30 = vector.broadcast %broadcast_in_dim3A_29 : vector<1x1024xf32> to vector<1024x1024xf32>
    %gt3A_31 = arith.cmpf ogt, %dot_general3A_22, %gt3A_30 : vector<1024x1024xf32>
    %jit3A_32 = arith.constant 0x7F800000 : f32
    %broadcast_in_dim3A_33 = vector.broadcast %jit3A_32 : f32 to vector<1024x1024xf32>
    %select_n3A_34 = arith.select %gt3A_31, %dot_general3A_22, %broadcast_in_dim3A_33 : vector<1024x1024xi1>, vector<1024x1024xf32>
    %reduce_min3A_35 = arith.constant dense<0x7F800000> : vector<1024xf32>
    %reduce_min3A_36 = vector.multi_reduction <minimumf>, %select_n3A_34, %reduce_min3A_35 [0] : vector<1024x1024xf32> to vector<1024xf32>
    %broadcast_in_dim3A_37 = vector.shape_cast %reduce_min3A_36 : vector<1024xf32> to vector<1x1024xf32>
    %eq3A = vector.broadcast %broadcast_in_dim3A_24 : vector<1x1024xf32> to vector<1024x1024xf32>
    %eq3A_38 = arith.cmpf oeq, %dot_general3A_22, %eq3A : vector<1024x1024xf32>
    %jit3A_39 = arith.constant 1024 : i32
    %broadcast_in_dim3A_40 = vector.broadcast %jit3A_39 : i32 to vector<1024x1024xi32>
    %select_n3A_41 = arith.select %eq3A_38, %iota3A, %broadcast_in_dim3A_40 : vector<1024x1024xi1>, vector<1024x1024xi32>
    %reduce_min3A_42 = arith.constant dense<2147483647> : vector<1024xi32>
    %reduce_min3A_43 = vector.multi_reduction <minsi>, %select_n3A_41, %reduce_min3A_42 [0] : vector<1024x1024xi32> to vector<1024xi32>
    %broadcast_in_dim3A_44 = vector.shape_cast %reduce_min3A_43 : vector<1024xi32> to vector<1x1024xi32>
    %eq3A_45 = vector.broadcast %broadcast_in_dim3A_29 : vector<1x1024xf32> to vector<1024x1024xf32>
    %eq3A_46 = arith.cmpf oeq, %dot_general3A_22, %eq3A_45 : vector<1024x1024xf32>
    %jit3A_47 = arith.constant 1024 : i32
    %broadcast_in_dim3A_48 = vector.broadcast %jit3A_47 : i32 to vector<1024x1024xi32>
    %select_n3A_49 = arith.select %eq3A_46, %iota3A, %broadcast_in_dim3A_48 : vector<1024x1024xi1>, vector<1024x1024xi32>
    %reduce_min3A_50 = arith.constant dense<2147483647> : vector<1024xi32>
    %reduce_min3A_51 = vector.multi_reduction <minsi>, %select_n3A_49, %reduce_min3A_50 [0] : vector<1024x1024xi32> to vector<1024xi32>
    %broadcast_in_dim3A_52 = vector.shape_cast %reduce_min3A_51 : vector<1024xi32> to vector<1x1024xi32>
    %eq3A_53 = vector.broadcast %broadcast_in_dim3A_37 : vector<1x1024xf32> to vector<1024x1024xf32>
    %eq3A_54 = arith.cmpf oeq, %dot_general3A_22, %eq3A_53 : vector<1024x1024xf32>
    %jit3A_55 = arith.constant 1024 : i32
    %broadcast_in_dim3A_56 = vector.broadcast %jit3A_55 : i32 to vector<1024x1024xi32>
    %select_n3A_57 = arith.select %eq3A_54, %iota3A, %broadcast_in_dim3A_56 : vector<1024x1024xi1>, vector<1024x1024xi32>
    %reduce_min3A_58 = arith.constant dense<2147483647> : vector<1024xi32>
    %reduce_min3A_59 = vector.multi_reduction <minsi>, %select_n3A_57, %reduce_min3A_58 [0] : vector<1024x1024xi32> to vector<1024xi32>
    %broadcast_in_dim3A_60 = vector.shape_cast %reduce_min3A_59 : vector<1024xi32> to vector<1x1024xi32>
    %max3A = arith.constant 1.000000e-10 : f32
    %max3A_61 = vector.broadcast %max3A : f32 to vector<1x1024xf32>
    %max3A_62 = arith.maximumf %broadcast_in_dim3A_24, %max3A_61 : vector<1x1024xf32>
    %div3A = arith.constant 1.000000e+00 : f32
    %div3A_63 = vector.broadcast %div3A : f32 to vector<1x1024xf32>
    %div3A_64 = arith.divf %div3A_63, %max3A_62 : vector<1x1024xf32>
    %max3A_65 = arith.constant 1.000000e-10 : f32
    %max3A_66 = vector.broadcast %max3A_65 : f32 to vector<1x1024xf32>
    %max3A_67 = arith.maximumf %broadcast_in_dim3A_29, %max3A_66 : vector<1x1024xf32>
    %div3A_68 = arith.constant 1.000000e+00 : f32
    %div3A_69 = vector.broadcast %div3A_68 : f32 to vector<1x1024xf32>
    %div3A_70 = arith.divf %div3A_69, %max3A_67 : vector<1x1024xf32>
    %max3A_71 = arith.constant 1.000000e-10 : f32
    %max3A_72 = vector.broadcast %max3A_71 : f32 to vector<1x1024xf32>
    %max3A_73 = arith.maximumf %broadcast_in_dim3A_37, %max3A_72 : vector<1x1024xf32>
    %div3A_74 = arith.constant 1.000000e+00 : f32
    %div3A_75 = vector.broadcast %div3A_74 : f32 to vector<1x1024xf32>
    %div3A_76 = arith.divf %div3A_75, %max3A_73 : vector<1x1024xf32>
    %add3A = arith.addf %div3A_64, %div3A_70 : vector<1x1024xf32>
    %add3A_77 = arith.addf %add3A, %div3A_76 : vector<1x1024xf32>
    %concatenate3A_78 = tpu.concatenate %broadcast_in_dim3A_44, %broadcast_in_dim3A_52, %broadcast_in_dim3A_60 in 0 : vector<1x1024xi32>, vector<1x1024xi32>, vector<1x1024xi32> -> vector<3x1024xi32>
    %mul3A_79 = arith.constant 1024 : i32
    %mul3A_80 = arith.muli %arg0, %mul3A_79 : i32
    %add3A_81 = vector.broadcast %mul3A_80 : i32 to vector<3x1024xi32>
    %add3A_82 = arith.addi %concatenate3A_78, %add3A_81 : vector<3x1024xi32>
    %swap3A = arith.constant 0 : index
    %swap3A_83 = arith.constant 0 : index
    %swap3A_84 = vector.load %arg4[%swap3A, %swap3A_83] : memref<3x1024xi32, #tpu.memory_space<vmem>>, vector<3x1024xi32>
    tpu.vector_store %arg4[%swap3A, %swap3A_83], %add3A_82 {strides = array<i32>} : memref<3x1024xi32, #tpu.memory_space<vmem>>, vector<3x1024xi32>,
    %div3A_85 = arith.divf %div3A_64, %add3A_77 : vector<1x1024xf32>
    %squeeze3A = vector.shape_cast %div3A_85 : vector<1x1024xf32> to vector<1024xf32>
    %broadcast_in_dim3A_86 = vector.shape_cast %squeeze3A : vector<1024xf32> to vector<1024x1xf32>
    %broadcast_in_dim3A_87 = vector.shape_cast %broadcast_in_dim3A_86 : vector<1024x1xf32> to vector<1024x1xf32>
    %broadcast_in_dim3A_88 = vector.broadcast %broadcast_in_dim3A_87 : vector<1024x1xf32> to vector<1024x16xf32>
    %div3A_89 = arith.divf %div3A_70, %add3A_77 : vector<1x1024xf32>
    %squeeze3A_90 = vector.shape_cast %div3A_89 : vector<1x1024xf32> to vector<1024xf32>
    %broadcast_in_dim3A_91 = vector.shape_cast %squeeze3A_90 : vector<1024xf32> to vector<1024x1xf32>
    %broadcast_in_dim3A_92 = vector.shape_cast %broadcast_in_dim3A_91 : vector<1024x1xf32> to vector<1024x1xf32>
    %broadcast_in_dim3A_93 = vector.broadcast %broadcast_in_dim3A_92 : vector<1024x1xf32> to vector<1024x16xf32>
    %div3A_94 = arith.divf %div3A_76, %add3A_77 : vector<1x1024xf32>
    %squeeze3A_95 = vector.shape_cast %div3A_94 : vector<1x1024xf32> to vector<1024xf32>
    %broadcast_in_dim3A_96 = vector.shape_cast %squeeze3A_95 : vector<1024xf32> to vector<1024x1xf32>
    %broadcast_in_dim3A_97 = vector.shape_cast %broadcast_in_dim3A_96 : vector<1024x1xf32> to vector<1024x1xf32>
    %broadcast_in_dim3A_98 = vector.broadcast %broadcast_in_dim3A_97 : vector<1024x1xf32> to vector<1024x16xf32>
    %stack3A = vector.shape_cast %broadcast_in_dim3A_88 : vector<1024x16xf32> to vector<1x1024x16xf32>
    %stack3A_99 = vector.shape_cast %broadcast_in_dim3A_93 : vector<1024x16xf32> to vector<1x1024x16xf32>
    %stack3A_100 = vector.shape_cast %broadcast_in_dim3A_98 : vector<1024x16xf32> to vector<1x1024x16xf32>
    %stack3A_101 = tpu.concatenate %stack3A, %stack3A_99, %stack3A_100 in 0 : vector<1x1024x16xf32>, vector<1x1024x16xf32>, vector<1x1024x16xf32> -> vector<3x1024x16xf32>
    %swap3A_102 = arith.constant 0 : index
    %swap3A_103 = arith.constant 0 : index
    %swap3A_104 = arith.constant 0 : index
    %swap3A_105 = vector.load %arg5[%swap3A_102, %swap3A_103, %swap3A_104] : memref<3x1024x16xf32, #tpu.memory_space<vmem>>, vector<3x1024x16xf32>
    tpu.vector_store %arg5[%swap3A_102, %swap3A_103, %swap3A_104], %stack3A_101 {strides = array<i32>} : memref<3x1024x16xf32, #tpu.memory_space<vmem>>, vector<3x1024x16xf32>,
    return
  }
  func.func @transform_0(%arg0: i32, %arg1: i32) -> (i32, i32, i32) {
    %c0_i32 = arith.constant 0 : i32
    %c0_i32_0 = arith.constant 0 : i32
    %c0_i32_1 = arith.constant 0 : i32
    return %arg0, %c0_i32, %c0_i32_0 : i32, i32, i32
  }
  func.func @transform_1(%arg0: i32, %arg1: i32) -> (i32, i32, i32) {
    %c0_i32 = arith.constant 0 : i32
    %c0_i32_0 = arith.constant 0 : i32
    return %arg0, %c0_i32, %arg1 : i32, i32, i32
  }
  func.func @transform_2(%arg0: i32, %arg1: i32) -> (i32, i32) {
    %mul3A = arith.constant 4 : i32
    %mul3A_0 = arith.muli %arg0, %mul3A : i32
    %add3A = arith.addi %mul3A_0, %arg1 : i32
    %c0_i32 = arith.constant 0 : i32
    %c0_i32_1 = arith.constant 0 : i32
    return %c0_i32, %add3A : i32, i32
  }
  func.func @transform_3(%arg0: i32, %arg1: i32) -> (i32, i32, i32) {
    %mul3A = arith.constant 4 : i32
    %mul3A_0 = arith.muli %arg0, %mul3A : i32
    %add3A = arith.addi %mul3A_0, %arg1 : i32
    %c0_i32 = arith.constant 0 : i32
    %c0_i32_1 = arith.constant 0 : i32
    %c0_i32_2 = arith.constant 0 : i32
    return %c0_i32, %add3A, %c0_i32_1 : i32, i32, i32
  }
}

module attributes {stable_mosaic.version = 14 : i64} {
  func.func @_k3row(%arg0: i32, %arg1: memref<2048x256xf32, #tpu.memory_space<vmem>>, %arg2: memref<2048x128xf32, #tpu.memory_space<vmem>>, %arg3: memref<256x256xf32, #tpu.memory_space<vmem>>, %arg4: memref<128x256xf32, #tpu.memory_space<vmem>>, %arg5: memref<2048x256xf32, #tpu.memory_space<vmem>>, %arg6: memref<1x256xf32, #tpu.memory_space<vmem>>, %arg7: memref<1x256xf32, #tpu.memory_space<vmem>>) attributes {dimension_semantics = [#tpu.dimension_semantics<arbitrary>], iteration_bounds = array<i64: 16>, scalar_prefetch = 0 : i64, scratch_operands = 0 : i64, tpu.core_type = #tpu.core_type<tc>, window_params = [{transform_indices = @transform_0, window_bounds = array<i64: 2048, 256>}, {transform_indices = @transform_1, window_bounds = array<i64: 2048, 128>}, {pipeline_mode = #tpu.pipeline_mode<synchronous>, transform_indices = @transform_2, window_bounds = array<i64: 256, 256>}, {pipeline_mode = #tpu.pipeline_mode<synchronous>, transform_indices = @transform_3, window_bounds = array<i64: 128, 256>}, {transform_indices = @transform_4, window_bounds = array<i64: 2048, 256>}, {pipeline_mode = #tpu.pipeline_mode<synchronous>, transform_indices = @transform_5, window_bounds = array<i64: 1, 256>}, {pipeline_mode = #tpu.pipeline_mode<synchronous>, transform_indices = @transform_6, window_bounds = array<i64: 1, 256>}]} {
    %get3A = arith.constant 0 : index
    %get3A_0 = arith.constant 0 : index
    %get3A_1 = vector.load %arg1[%get3A, %get3A_0] : memref<2048x256xf32, #tpu.memory_space<vmem>>, vector<2048x256xf32>
    %get3A_2 = arith.constant 0 : index
    %get3A_3 = arith.constant 0 : index
    %get3A_4 = vector.load %arg3[%get3A_2, %get3A_3] : memref<256x256xf32, #tpu.memory_space<vmem>>, vector<256x256xf32>
    %dot_general3A = arith.constant dense<0.000000e+00> : vector<2048x256xf32>
    %dot_general3A_5 = tpu.matmul %get3A_1, %get3A_4, %dot_general3A {dimension_numbers = #tpu.dot_dimension_numbers<[1], [0], [0], [1], [0, 0, 1, 1], [], []>, transpose_lhs_hint = false} : vector<2048x256xf32>, vector<256x256xf32>, vector<2048x256xf32> -> vector<2048x256xf32>
    %get3A_6 = arith.constant 0 : index
    %get3A_7 = arith.constant 0 : index
    %get3A_8 = vector.load %arg2[%get3A_6, %get3A_7] : memref<2048x128xf32, #tpu.memory_space<vmem>>, vector<2048x128xf32>
    %get3A_9 = arith.constant 0 : index
    %get3A_10 = arith.constant 0 : index
    %get3A_11 = vector.load %arg4[%get3A_9, %get3A_10] : memref<128x256xf32, #tpu.memory_space<vmem>>, vector<128x256xf32>
    %dot_general3A_12 = arith.constant dense<0.000000e+00> : vector<2048x256xf32>
    %dot_general3A_13 = tpu.matmul %get3A_8, %get3A_11, %dot_general3A_12 {dimension_numbers = #tpu.dot_dimension_numbers<[1], [0], [0], [1], [0, 0, 1, 1], [], []>, transpose_lhs_hint = false} : vector<2048x128xf32>, vector<128x256xf32>, vector<2048x256xf32> -> vector<2048x256xf32>
    %add3A = arith.addf %dot_general3A_5, %dot_general3A_13 : vector<2048x256xf32>
    %swap3A = arith.constant 0 : index
    %swap3A_14 = arith.constant 0 : index
    %swap3A_15 = vector.load %arg5[%swap3A, %swap3A_14] : memref<2048x256xf32, #tpu.memory_space<vmem>>, vector<2048x256xf32>
    tpu.vector_store %arg5[%swap3A, %swap3A_14], %add3A {strides = array<i32>} : memref<2048x256xf32, #tpu.memory_space<vmem>>, vector<2048x256xf32>,
    %eq3A = arith.constant 0 : i32
    %eq3A_16 = arith.cmpi eq, %arg0, %eq3A : i32
    %convert_element_type3A = arith.extui %eq3A_16 : i1 to i32
    %cond3A = arith.constant 0 : i32
    %cond3A_17 = arith.cmpi ne, %convert_element_type3A, %cond3A : i32
    scf.if %cond3A_17 {
      %broadcast_in_dim3A_36 = arith.constant 0.000000e+00 : f32
      %broadcast_in_dim3A_37 = vector.broadcast %broadcast_in_dim3A_36 : f32 to vector<1x256xf32>
      %swap3A_38 = arith.constant 0 : index
      %swap3A_39 = arith.constant 0 : index
      %swap3A_40 = vector.load %arg6[%swap3A_38, %swap3A_39] : memref<1x256xf32, #tpu.memory_space<vmem>>, vector<1x256xf32>
      tpu.vector_store %arg6[%swap3A_38, %swap3A_39], %broadcast_in_dim3A_37 {strides = array<i32>} : memref<1x256xf32, #tpu.memory_space<vmem>>, vector<1x256xf32>,
      %broadcast_in_dim3A_41 = arith.constant 0.000000e+00 : f32
      %broadcast_in_dim3A_42 = vector.broadcast %broadcast_in_dim3A_41 : f32 to vector<1x256xf32>
      %swap3A_43 = arith.constant 0 : index
      %swap3A_44 = arith.constant 0 : index
      %swap3A_45 = vector.load %arg7[%swap3A_43, %swap3A_44] : memref<1x256xf32, #tpu.memory_space<vmem>>, vector<1x256xf32>
      tpu.vector_store %arg7[%swap3A_43, %swap3A_44], %broadcast_in_dim3A_42 {strides = array<i32>} : memref<1x256xf32, #tpu.memory_space<vmem>>, vector<1x256xf32>,
    } else {
    }
    %get3A_18 = arith.constant 0 : index
    %get3A_19 = arith.constant 0 : index
    %get3A_20 = vector.load %arg6[%get3A_18, %get3A_19] : memref<1x256xf32, #tpu.memory_space<vmem>>, vector<1x256xf32>
    %reduce_sum3A = arith.constant dense<0.000000e+00> : vector<256xf32>
    %reduce_sum3A_21 = vector.multi_reduction <add>, %add3A, %reduce_sum3A [0] : vector<2048x256xf32> to vector<256xf32>
    %broadcast_in_dim3A = vector.shape_cast %reduce_sum3A_21 : vector<256xf32> to vector<1x256xf32>
    %add3A_22 = arith.addf %get3A_20, %broadcast_in_dim3A : vector<1x256xf32>
    %swap3A_23 = arith.constant 0 : index
    %swap3A_24 = arith.constant 0 : index
    %swap3A_25 = vector.load %arg6[%swap3A_23, %swap3A_24] : memref<1x256xf32, #tpu.memory_space<vmem>>, vector<1x256xf32>
    tpu.vector_store %arg6[%swap3A_23, %swap3A_24], %add3A_22 {strides = array<i32>} : memref<1x256xf32, #tpu.memory_space<vmem>>, vector<1x256xf32>,
    %get3A_26 = arith.constant 0 : index
    %get3A_27 = arith.constant 0 : index
    %get3A_28 = vector.load %arg7[%get3A_26, %get3A_27] : memref<1x256xf32, #tpu.memory_space<vmem>>, vector<1x256xf32>
    %mul3A = arith.mulf %add3A, %add3A : vector<2048x256xf32>
    %reduce_sum3A_29 = arith.constant dense<0.000000e+00> : vector<256xf32>
    %reduce_sum3A_30 = vector.multi_reduction <add>, %mul3A, %reduce_sum3A_29 [0] : vector<2048x256xf32> to vector<256xf32>
    %broadcast_in_dim3A_31 = vector.shape_cast %reduce_sum3A_30 : vector<256xf32> to vector<1x256xf32>
    %add3A_32 = arith.addf %get3A_28, %broadcast_in_dim3A_31 : vector<1x256xf32>
    %swap3A_33 = arith.constant 0 : index
    %swap3A_34 = arith.constant 0 : index
    %swap3A_35 = vector.load %arg7[%swap3A_33, %swap3A_34] : memref<1x256xf32, #tpu.memory_space<vmem>>, vector<1x256xf32>
    tpu.vector_store %arg7[%swap3A_33, %swap3A_34], %add3A_32 {strides = array<i32>} : memref<1x256xf32, #tpu.memory_space<vmem>>, vector<1x256xf32>,
    return
  }
  func.func @transform_0(%arg0: i32) -> (i32, i32) {
    %c0_i32 = arith.constant 0 : i32
    %c0_i32_0 = arith.constant 0 : i32
    return %arg0, %c0_i32 : i32, i32
  }
  func.func @transform_1(%arg0: i32) -> (i32, i32) {
    %c0_i32 = arith.constant 0 : i32
    %c0_i32_0 = arith.constant 0 : i32
    return %arg0, %c0_i32 : i32, i32
  }
  func.func @transform_2(%arg0: i32) -> (i32, i32) {
    %c0_i32 = arith.constant 0 : i32
    %c0_i32_0 = arith.constant 0 : i32
    %c0_i32_1 = arith.constant 0 : i32
    return %c0_i32, %c0_i32_0 : i32, i32
  }
  func.func @transform_3(%arg0: i32) -> (i32, i32) {
    %c0_i32 = arith.constant 0 : i32
    %c0_i32_0 = arith.constant 0 : i32
    %c0_i32_1 = arith.constant 0 : i32
    return %c0_i32, %c0_i32_0 : i32, i32
  }
  func.func @transform_4(%arg0: i32) -> (i32, i32) {
    %c0_i32 = arith.constant 0 : i32
    %c0_i32_0 = arith.constant 0 : i32
    return %arg0, %c0_i32 : i32, i32
  }
  func.func @transform_5(%arg0: i32) -> (i32, i32) {
    %c0_i32 = arith.constant 0 : i32
    %c0_i32_0 = arith.constant 0 : i32
    %c0_i32_1 = arith.constant 0 : i32
    return %c0_i32, %c0_i32_0 : i32, i32
  }
  func.func @transform_6(%arg0: i32) -> (i32, i32) {
    %c0_i32 = arith.constant 0 : i32
    %c0_i32_0 = arith.constant 0 : i32
    %c0_i32_1 = arith.constant 0 : i32
    return %c0_i32, %c0_i32_0 : i32, i32
  }
}

module attributes {stable_mosaic.version = 14 : i64} {
  func.func @_k4row(%arg0: i32, %arg1: memref<2048x256xf32, #tpu.memory_space<vmem>>, %arg2: memref<1x256xf32, #tpu.memory_space<vmem>>, %arg3: memref<1x256xf32, #tpu.memory_space<vmem>>, %arg4: memref<1x256xf32, #tpu.memory_space<vmem>>, %arg5: memref<1x256xf32, #tpu.memory_space<vmem>>, %arg6: memref<256x128xf32, #tpu.memory_space<vmem>>, %arg7: memref<2048x128xf32, #tpu.memory_space<vmem>>, %arg8: memref<1x128xf32, #tpu.memory_space<vmem>>, %arg9: memref<1x128xf32, #tpu.memory_space<vmem>>) attributes {dimension_semantics = [#tpu.dimension_semantics<arbitrary>], iteration_bounds = array<i64: 16>, scalar_prefetch = 0 : i64, scratch_operands = 0 : i64, tpu.core_type = #tpu.core_type<tc>, window_params = [{transform_indices = @transform_0, window_bounds = array<i64: 2048, 256>}, {pipeline_mode = #tpu.pipeline_mode<synchronous>, transform_indices = @transform_1, window_bounds = array<i64: 1, 256>}, {pipeline_mode = #tpu.pipeline_mode<synchronous>, transform_indices = @transform_2, window_bounds = array<i64: 1, 256>}, {pipeline_mode = #tpu.pipeline_mode<synchronous>, transform_indices = @transform_3, window_bounds = array<i64: 1, 256>}, {pipeline_mode = #tpu.pipeline_mode<synchronous>, transform_indices = @transform_4, window_bounds = array<i64: 1, 256>}, {pipeline_mode = #tpu.pipeline_mode<synchronous>, transform_indices = @transform_5, window_bounds = array<i64: 256, 128>}, {transform_indices = @transform_6, window_bounds = array<i64: 2048, 128>}, {pipeline_mode = #tpu.pipeline_mode<synchronous>, transform_indices = @transform_7, window_bounds = array<i64: 1, 128>}, {pipeline_mode = #tpu.pipeline_mode<synchronous>, transform_indices = @transform_8, window_bounds = array<i64: 1, 128>}]} {
    %get3A = arith.constant 0 : index
    %get3A_0 = arith.constant 0 : index
    %get3A_1 = vector.load %arg2[%get3A, %get3A_0] : memref<1x256xf32, #tpu.memory_space<vmem>>, vector<1x256xf32>
    %mul3A = arith.constant 3.05175781E-5 : f32
    %mul3A_2 = vector.broadcast %mul3A : f32 to vector<1x256xf32>
    %mul3A_3 = arith.mulf %get3A_1, %mul3A_2 : vector<1x256xf32>
    %get3A_4 = arith.constant 0 : index
    %get3A_5 = arith.constant 0 : index
    %get3A_6 = vector.load %arg3[%get3A_4, %get3A_5] : memref<1x256xf32, #tpu.memory_space<vmem>>, vector<1x256xf32>
    %mul3A_7 = arith.constant 3.05175781E-5 : f32
    %mul3A_8 = vector.broadcast %mul3A_7 : f32 to vector<1x256xf32>
    %mul3A_9 = arith.mulf %get3A_6, %mul3A_8 : vector<1x256xf32>
    %mul3A_10 = arith.mulf %mul3A_3, %mul3A_3 : vector<1x256xf32>
    %sub3A = arith.subf %mul3A_9, %mul3A_10 : vector<1x256xf32>
    %max3A = arith.constant 0.000000e+00 : f32
    %max3A_11 = vector.broadcast %max3A : f32 to vector<1x256xf32>
    %max3A_12 = arith.maximumf %sub3A, %max3A_11 : vector<1x256xf32>
    %get3A_13 = arith.constant 0 : index
    %get3A_14 = arith.constant 0 : index
    %get3A_15 = vector.load %arg4[%get3A_13, %get3A_14] : memref<1x256xf32, #tpu.memory_space<vmem>>, vector<1x256xf32>
    %add3A = arith.constant 9.99999974E-6 : f32
    %add3A_16 = vector.broadcast %add3A : f32 to vector<1x256xf32>
    %add3A_17 = arith.addf %max3A_12, %add3A_16 : vector<1x256xf32>
    %rsqrt3A = math.rsqrt %add3A_17 : vector<1x256xf32>
    %mul3A_18 = arith.mulf %get3A_15, %rsqrt3A : vector<1x256xf32>
    %get3A_19 = arith.constant 0 : index
    %get3A_20 = arith.constant 0 : index
    %get3A_21 = vector.load %arg5[%get3A_19, %get3A_20] : memref<1x256xf32, #tpu.memory_space<vmem>>, vector<1x256xf32>
    %mul3A_22 = arith.mulf %mul3A_3, %mul3A_18 : vector<1x256xf32>
    %sub3A_23 = arith.subf %get3A_21, %mul3A_22 : vector<1x256xf32>
    %get3A_24 = arith.constant 0 : index
    %get3A_25 = arith.constant 0 : index
    %get3A_26 = vector.load %arg1[%get3A_24, %get3A_25] : memref<2048x256xf32, #tpu.memory_space<vmem>>, vector<2048x256xf32>
    %mul3A_27 = vector.broadcast %mul3A_18 : vector<1x256xf32> to vector<2048x256xf32>
    %mul3A_28 = arith.mulf %mul3A_27, %get3A_26 : vector<2048x256xf32>
    %add3A_29 = vector.broadcast %sub3A_23 : vector<1x256xf32> to vector<2048x256xf32>
    %add3A_30 = arith.addf %mul3A_28, %add3A_29 : vector<2048x256xf32>
    %max3A_31 = arith.constant 0.000000e+00 : f32
    %max3A_32 = vector.broadcast %max3A_31 : f32 to vector<2048x256xf32>
    %max3A_33 = arith.maximumf %add3A_30, %max3A_32 : vector<2048x256xf32>
    %get3A_34 = arith.constant 0 : index
    %get3A_35 = arith.constant 0 : index
    %get3A_36 = vector.load %arg6[%get3A_34, %get3A_35] : memref<256x128xf32, #tpu.memory_space<vmem>>, vector<256x128xf32>
    %dot_general3A = arith.constant dense<0.000000e+00> : vector<2048x128xf32>
    %dot_general3A_37 = tpu.matmul %max3A_33, %get3A_36, %dot_general3A {dimension_numbers = #tpu.dot_dimension_numbers<[1], [0], [0], [1], [0, 0, 1, 1], [], []>, transpose_lhs_hint = false} : vector<2048x256xf32>, vector<256x128xf32>, vector<2048x128xf32> -> vector<2048x128xf32>
    %swap3A = arith.constant 0 : index
    %swap3A_38 = arith.constant 0 : index
    %swap3A_39 = vector.load %arg7[%swap3A, %swap3A_38] : memref<2048x128xf32, #tpu.memory_space<vmem>>, vector<2048x128xf32>
    tpu.vector_store %arg7[%swap3A, %swap3A_38], %dot_general3A_37 {strides = array<i32>} : memref<2048x128xf32, #tpu.memory_space<vmem>>, vector<2048x128xf32>,
    %eq3A = arith.constant 0 : i32
    %eq3A_40 = arith.cmpi eq, %arg0, %eq3A : i32
    %convert_element_type3A = arith.extui %eq3A_40 : i1 to i32
    %cond3A = arith.constant 0 : i32
    %cond3A_41 = arith.cmpi ne, %convert_element_type3A, %cond3A : i32
    scf.if %cond3A_41 {
      %broadcast_in_dim3A_61 = arith.constant 0.000000e+00 : f32
      %broadcast_in_dim3A_62 = vector.broadcast %broadcast_in_dim3A_61 : f32 to vector<1x128xf32>
      %swap3A_63 = arith.constant 0 : index
      %swap3A_64 = arith.constant 0 : index
      %swap3A_65 = vector.load %arg8[%swap3A_63, %swap3A_64] : memref<1x128xf32, #tpu.memory_space<vmem>>, vector<1x128xf32>
      tpu.vector_store %arg8[%swap3A_63, %swap3A_64], %broadcast_in_dim3A_62 {strides = array<i32>} : memref<1x128xf32, #tpu.memory_space<vmem>>, vector<1x128xf32>,
      %broadcast_in_dim3A_66 = arith.constant 0.000000e+00 : f32
      %broadcast_in_dim3A_67 = vector.broadcast %broadcast_in_dim3A_66 : f32 to vector<1x128xf32>
      %swap3A_68 = arith.constant 0 : index
      %swap3A_69 = arith.constant 0 : index
      %swap3A_70 = vector.load %arg9[%swap3A_68, %swap3A_69] : memref<1x128xf32, #tpu.memory_space<vmem>>, vector<1x128xf32>
      tpu.vector_store %arg9[%swap3A_68, %swap3A_69], %broadcast_in_dim3A_67 {strides = array<i32>} : memref<1x128xf32, #tpu.memory_space<vmem>>, vector<1x128xf32>,
    } else {
    }
    %get3A_42 = arith.constant 0 : index
    %get3A_43 = arith.constant 0 : index
    %get3A_44 = vector.load %arg8[%get3A_42, %get3A_43] : memref<1x128xf32, #tpu.memory_space<vmem>>, vector<1x128xf32>
    %reduce_sum3A = arith.constant dense<0.000000e+00> : vector<128xf32>
    %reduce_sum3A_45 = vector.multi_reduction <add>, %dot_general3A_37, %reduce_sum3A [0] : vector<2048x128xf32> to vector<128xf32>
    %broadcast_in_dim3A = vector.shape_cast %reduce_sum3A_45 : vector<128xf32> to vector<1x128xf32>
    %add3A_46 = arith.addf %get3A_44, %broadcast_in_dim3A : vector<1x128xf32>
    %swap3A_47 = arith.constant 0 : index
    %swap3A_48 = arith.constant 0 : index
    %swap3A_49 = vector.load %arg8[%swap3A_47, %swap3A_48] : memref<1x128xf32, #tpu.memory_space<vmem>>, vector<1x128xf32>
    tpu.vector_store %arg8[%swap3A_47, %swap3A_48], %add3A_46 {strides = array<i32>} : memref<1x128xf32, #tpu.memory_space<vmem>>, vector<1x128xf32>,
    %get3A_50 = arith.constant 0 : index
    %get3A_51 = arith.constant 0 : index
    %get3A_52 = vector.load %arg9[%get3A_50, %get3A_51] : memref<1x128xf32, #tpu.memory_space<vmem>>, vector<1x128xf32>
    %mul3A_53 = arith.mulf %dot_general3A_37, %dot_general3A_37 : vector<2048x128xf32>
    %reduce_sum3A_54 = arith.constant dense<0.000000e+00> : vector<128xf32>
    %reduce_sum3A_55 = vector.multi_reduction <add>, %mul3A_53, %reduce_sum3A_54 [0] : vector<2048x128xf32> to vector<128xf32>
    %broadcast_in_dim3A_56 = vector.shape_cast %reduce_sum3A_55 : vector<128xf32> to vector<1x128xf32>
    %add3A_57 = arith.addf %get3A_52, %broadcast_in_dim3A_56 : vector<1x128xf32>
    %swap3A_58 = arith.constant 0 : index
    %swap3A_59 = arith.constant 0 : index
    %swap3A_60 = vector.load %arg9[%swap3A_58, %swap3A_59] : memref<1x128xf32, #tpu.memory_space<vmem>>, vector<1x128xf32>
    tpu.vector_store %arg9[%swap3A_58, %swap3A_59], %add3A_57 {strides = array<i32>} : memref<1x128xf32, #tpu.memory_space<vmem>>, vector<1x128xf32>,
    return
  }
  func.func @transform_0(%arg0: i32) -> (i32, i32) {
    %c0_i32 = arith.constant 0 : i32
    %c0_i32_0 = arith.constant 0 : i32
    return %arg0, %c0_i32 : i32, i32
  }
  func.func @transform_1(%arg0: i32) -> (i32, i32) {
    %c0_i32 = arith.constant 0 : i32
    %c0_i32_0 = arith.constant 0 : i32
    %c0_i32_1 = arith.constant 0 : i32
    return %c0_i32, %c0_i32_0 : i32, i32
  }
  func.func @transform_2(%arg0: i32) -> (i32, i32) {
    %c0_i32 = arith.constant 0 : i32
    %c0_i32_0 = arith.constant 0 : i32
    %c0_i32_1 = arith.constant 0 : i32
    return %c0_i32, %c0_i32_0 : i32, i32
  }
  func.func @transform_3(%arg0: i32) -> (i32, i32) {
    %c0_i32 = arith.constant 0 : i32
    %c0_i32_0 = arith.constant 0 : i32
    %c0_i32_1 = arith.constant 0 : i32
    return %c0_i32, %c0_i32_0 : i32, i32
  }
  func.func @transform_4(%arg0: i32) -> (i32, i32) {
    %c0_i32 = arith.constant 0 : i32
    %c0_i32_0 = arith.constant 0 : i32
    %c0_i32_1 = arith.constant 0 : i32
    return %c0_i32, %c0_i32_0 : i32, i32
  }
  func.func @transform_5(%arg0: i32) -> (i32, i32) {
    %c0_i32 = arith.constant 0 : i32
    %c0_i32_0 = arith.constant 0 : i32
    %c0_i32_1 = arith.constant 0 : i32
    return %c0_i32, %c0_i32_0 : i32, i32
  }
  func.func @transform_6(%arg0: i32) -> (i32, i32) {
    %c0_i32 = arith.constant 0 : i32
    %c0_i32_0 = arith.constant 0 : i32
    return %arg0, %c0_i32 : i32, i32
  }
  func.func @transform_7(%arg0: i32) -> (i32, i32) {
    %c0_i32 = arith.constant 0 : i32
    %c0_i32_0 = arith.constant 0 : i32
    %c0_i32_1 = arith.constant 0 : i32
    return %c0_i32, %c0_i32_0 : i32, i32
  }
  func.func @transform_8(%arg0: i32) -> (i32, i32) {
    %c0_i32 = arith.constant 0 : i32
    %c0_i32_0 = arith.constant 0 : i32
    %c0_i32_1 = arith.constant 0 : i32
    return %c0_i32, %c0_i32_0 : i32, i32
  }
}

module attributes {stable_mosaic.version = 14 : i64} {
  func.func @_k5row(%arg0: i32, %arg1: memref<2048x128xf32, #tpu.memory_space<vmem>>, %arg2: memref<1x128xf32, #tpu.memory_space<vmem>>, %arg3: memref<1x128xf32, #tpu.memory_space<vmem>>, %arg4: memref<1x128xf32, #tpu.memory_space<vmem>>, %arg5: memref<1x128xf32, #tpu.memory_space<vmem>>, %arg6: memref<2048x128xf32, #tpu.memory_space<vmem>>) attributes {dimension_semantics = [#tpu.dimension_semantics<arbitrary>], iteration_bounds = array<i64: 16>, scalar_prefetch = 0 : i64, scratch_operands = 0 : i64, tpu.core_type = #tpu.core_type<tc>, window_params = [{transform_indices = @transform_0, window_bounds = array<i64: 2048, 128>}, {pipeline_mode = #tpu.pipeline_mode<synchronous>, transform_indices = @transform_1, window_bounds = array<i64: 1, 128>}, {pipeline_mode = #tpu.pipeline_mode<synchronous>, transform_indices = @transform_2, window_bounds = array<i64: 1, 128>}, {pipeline_mode = #tpu.pipeline_mode<synchronous>, transform_indices = @transform_3, window_bounds = array<i64: 1, 128>}, {pipeline_mode = #tpu.pipeline_mode<synchronous>, transform_indices = @transform_4, window_bounds = array<i64: 1, 128>}, {transform_indices = @transform_5, window_bounds = array<i64: 2048, 128>}]} {
    %get3A = arith.constant 0 : index
    %get3A_0 = arith.constant 0 : index
    %get3A_1 = vector.load %arg2[%get3A, %get3A_0] : memref<1x128xf32, #tpu.memory_space<vmem>>, vector<1x128xf32>
    %mul3A = arith.constant 3.05175781E-5 : f32
    %mul3A_2 = vector.broadcast %mul3A : f32 to vector<1x128xf32>
    %mul3A_3 = arith.mulf %get3A_1, %mul3A_2 : vector<1x128xf32>
    %get3A_4 = arith.constant 0 : index
    %get3A_5 = arith.constant 0 : index
    %get3A_6 = vector.load %arg3[%get3A_4, %get3A_5] : memref<1x128xf32, #tpu.memory_space<vmem>>, vector<1x128xf32>
    %mul3A_7 = arith.constant 3.05175781E-5 : f32
    %mul3A_8 = vector.broadcast %mul3A_7 : f32 to vector<1x128xf32>
    %mul3A_9 = arith.mulf %get3A_6, %mul3A_8 : vector<1x128xf32>
    %mul3A_10 = arith.mulf %mul3A_3, %mul3A_3 : vector<1x128xf32>
    %sub3A = arith.subf %mul3A_9, %mul3A_10 : vector<1x128xf32>
    %max3A = arith.constant 0.000000e+00 : f32
    %max3A_11 = vector.broadcast %max3A : f32 to vector<1x128xf32>
    %max3A_12 = arith.maximumf %sub3A, %max3A_11 : vector<1x128xf32>
    %get3A_13 = arith.constant 0 : index
    %get3A_14 = arith.constant 0 : index
    %get3A_15 = vector.load %arg4[%get3A_13, %get3A_14] : memref<1x128xf32, #tpu.memory_space<vmem>>, vector<1x128xf32>
    %add3A = arith.constant 9.99999974E-6 : f32
    %add3A_16 = vector.broadcast %add3A : f32 to vector<1x128xf32>
    %add3A_17 = arith.addf %max3A_12, %add3A_16 : vector<1x128xf32>
    %rsqrt3A = math.rsqrt %add3A_17 : vector<1x128xf32>
    %mul3A_18 = arith.mulf %get3A_15, %rsqrt3A : vector<1x128xf32>
    %get3A_19 = arith.constant 0 : index
    %get3A_20 = arith.constant 0 : index
    %get3A_21 = vector.load %arg5[%get3A_19, %get3A_20] : memref<1x128xf32, #tpu.memory_space<vmem>>, vector<1x128xf32>
    %mul3A_22 = arith.mulf %mul3A_3, %mul3A_18 : vector<1x128xf32>
    %sub3A_23 = arith.subf %get3A_21, %mul3A_22 : vector<1x128xf32>
    %get3A_24 = arith.constant 0 : index
    %get3A_25 = arith.constant 0 : index
    %get3A_26 = vector.load %arg1[%get3A_24, %get3A_25] : memref<2048x128xf32, #tpu.memory_space<vmem>>, vector<2048x128xf32>
    %mul3A_27 = vector.broadcast %mul3A_18 : vector<1x128xf32> to vector<2048x128xf32>
    %mul3A_28 = arith.mulf %mul3A_27, %get3A_26 : vector<2048x128xf32>
    %add3A_29 = vector.broadcast %sub3A_23 : vector<1x128xf32> to vector<2048x128xf32>
    %add3A_30 = arith.addf %mul3A_28, %add3A_29 : vector<2048x128xf32>
    %max3A_31 = arith.constant 0.000000e+00 : f32
    %max3A_32 = vector.broadcast %max3A_31 : f32 to vector<2048x128xf32>
    %max3A_33 = arith.maximumf %add3A_30, %max3A_32 : vector<2048x128xf32>
    %swap3A = arith.constant 0 : index
    %swap3A_34 = arith.constant 0 : index
    %swap3A_35 = vector.load %arg6[%swap3A, %swap3A_34] : memref<2048x128xf32, #tpu.memory_space<vmem>>, vector<2048x128xf32>
    tpu.vector_store %arg6[%swap3A, %swap3A_34], %max3A_33 {strides = array<i32>} : memref<2048x128xf32, #tpu.memory_space<vmem>>, vector<2048x128xf32>,
    return
  }
  func.func @transform_0(%arg0: i32) -> (i32, i32) {
    %c0_i32 = arith.constant 0 : i32
    %c0_i32_0 = arith.constant 0 : i32
    return %arg0, %c0_i32 : i32, i32
  }
  func.func @transform_1(%arg0: i32) -> (i32, i32) {
    %c0_i32 = arith.constant 0 : i32
    %c0_i32_0 = arith.constant 0 : i32
    %c0_i32_1 = arith.constant 0 : i32
    return %c0_i32, %c0_i32_0 : i32, i32
  }
  func.func @transform_2(%arg0: i32) -> (i32, i32) {
    %c0_i32 = arith.constant 0 : i32
    %c0_i32_0 = arith.constant 0 : i32
    %c0_i32_1 = arith.constant 0 : i32
    return %c0_i32, %c0_i32_0 : i32, i32
  }
  func.func @transform_3(%arg0: i32) -> (i32, i32) {
    %c0_i32 = arith.constant 0 : i32
    %c0_i32_0 = arith.constant 0 : i32
    %c0_i32_1 = arith.constant 0 : i32
    return %c0_i32, %c0_i32_0 : i32, i32
  }
  func.func @transform_4(%arg0: i32) -> (i32, i32) {
    %c0_i32 = arith.constant 0 : i32
    %c0_i32_0 = arith.constant 0 : i32
    %c0_i32_1 = arith.constant 0 : i32
    return %c0_i32, %c0_i32_0 : i32, i32
  }
  func.func @transform_5(%arg0: i32) -> (i32, i32) {
    %c0_i32 = arith.constant 0 : i32
    %c0_i32_0 = arith.constant 0 : i32
    return %arg0, %c0_i32 : i32, i32
  }
}

</mosaic_0001>

<sc_bundles>
// kernel: kernel.7.cloned.1.call-start
scs
__scs_entry_jumppad:
0x0: {  	(pc) =	sbr.rel $0x88, $3  }
0x1: {  	(tag) =	ssettag $0x0;
	lr =	simm.s32 $0x1  }
0x2: {  	[smem:$0x3F97] =	sst lr;
	_ =	strace $0xD0000000  }
0x3: {  	_ = 	snop  }
0x4: {  	_ = 	snop  }
0x5: {  	_ = 	snop  }
0x6: {  	_ = 	snop  }
0x7: {  	_ = 	snop  }
__scs_overlays_trampoline_lowered:
0x8: {  	[smem:$0x3FA6] =	sst s0  }
0x9: {  	[smem:$0x3FA7] =	sst s1  }
0xa: {  	[smem:$0x3FA8] =	sst s2  }
0xb: {  	[smem:$0x3FA9] =	sst s3  }
0xc: {  	[smem:$0x3FAA] =	sst s4  }
0xd: {  	[smem:$0x3FAB] =	sst s5  }
0xe: {  	[smem:$0x3FAC] =	sst s6  }
0xf: {  	[smem:$0x3FAD] =	sst s7  }
0x10: {  	[smem:$0x3FAE] =	sst s8  }
0x11: {  	[smem:$0x3FAF] =	sst s9;
	s0 =	simm.s32 @!p0 $0x0  }
0x12: {  	s1 =	sld [smem:$0x3F95];
	s0 =	simm.s32 @p0 $0x1  }
0x13: {  	[smem:$0x3FB0] =	sst s0;
	s0 =	simm.s32 @!p1 $0x0  }
0x14: {  	s2 =	sld [smem:$0x3F94];
	s0 =	simm.s32 @p1 $0x1  }
0x15: {  	[smem:$0x3FB1] =	sst s0;
	s0 =	simm.s32 @!p2 $0x0  }
0x16: {  	s3 =	sld [smem:$0x3FDB];
	s0 =	simm.s32 @p2 $0x1  }
0x17: {  	s4 =	simm.s32 $0x1BF5;
	[smem:$0x3FB3] =	sst s0  }
0x18: {  	s0 =	sld [smem:$0x3F96];
	_ =	swait.ge [sflag:s4], $0x0  }
0x19: {  	s7 =	sld [smem:$0x3F97]  }
0x1a: {  	s8 =	sadd.s32 $0xFFFFE003, lr  }
0x1b: {  	s9 =	sadd.s32 $0xFFFFFEF7, lr;
	s5 =	simm.s32 $0xFFFFFFFF;
	p2 =	slt.u32 s8, $0xFFFFF086  }
0x1c: {  	p1 =	slt.u32 s9, $0xF7A;
	s5 =	simm.s32 @!p2 $0x0  }
0x1d: {  	s5 =	simm.s32 @p1 $0x1;
	p0 =	seq.s32 s7, s2  }
0x1e: {  	s7 =	smul.u32 @!p0 $0xF7A, s2;
	p2 =	seq.s32 @!p0 s5, $0x0  }
0x1f: {  	s9 =	smul.u32 $0xF7A, s1;
	s8 =	simm.s32 @!p0 $0x1BF5;
	p2 =	por !p2, p0  }
0x20: {  	[sflag:s8] =	ssyncset.s32 @!p0 $0xFFFFF086;
	s6 =	sadd.s32 @!p0 s3, s7;
	s7 =	simm.s32 @!p0 $0x108  }
0x21: {  	s3 =	sadd.s32 s3, s9;
	s6 =	sadd.s32 @!p0 $0x88, s6;
	s7 =	simm.s32 @p2 $0x1082  }
0x22: {  	[simem:s7], [sflag:s8] =	dma.local @!p0 [hbm:s6], $0xF7A  }
0x23: {  	s9 =	sor.u32 $0xD0000000, s2;
	s6 =	simm.s32 $0x108;
	_ =	swait.ge @!p0 [sflag:s8], $0x0  }
0x24: {  	s3 =	sadd.s32 $0x88, s3;
	s6 =	simm.s32 @!p1 $0x1082;
	[sflag:s4] =	ssyncset.s32 $0xFFFFF086  }
0x25: {  	[simem:s6], [sflag:s4] =	dma.local [hbm:s3], $0xF7A  }
0x26: {  	[smem:$0x3F97] =	sst s1;
	(tag) =	ssettag s2;
	_ =	strace s9  }
0x27: {  	s1 =	sld [smem:$0x3FA7]  }
0x28: {  	s2 =	sld [smem:$0x3FA8]  }
0x29: {  	s4 =	sld [smem:$0x3FAA]  }
0x2a: {  	p0 =	seq.s32 s5, $0x0;
	s5 =	sld [smem:$0x3FAB]  }
0x2b: {  	s6 =	sld [smem:$0x3FAC]  }
0x2c: {  	s7 =	sld [smem:$0x3FAD]  }
0x2d: {  	s3 =	simm.s32 $0x108;
	s8 =	sld [smem:$0x3FAE]  }
0x2e: {  	s3 =	simm.s32 @!p0 $0x1082;
	s9 =	sld [smem:$0x3FAF]  }
0x2f: {  	lr =	sadd.s32 s0, s3;
	s0 =	sld [smem:$0x3FA6]  }
0x30: {  	s3 =	sld [smem:$0x3FA9]  }
0x31: {  	[smem:$0x3FB2] =	sst s10  }
0x32: {  	s10 =	sld [smem:$0x3FB0];
	_ =	sdelay $0x3  }
0x33: {  	p0 =	seq.s32 s10, $0x1;
	s10 =	sld [smem:$0x3FB2];
	_ =	sdelay $0x3  }
0x34: {  	[smem:$0x3FB2] =	sst s10  }
0x35: {  	s10 =	sld [smem:$0x3FB1];
	_ =	sdelay $0x3  }
0x36: {  	p1 =	seq.s32 s10, $0x1;
	s10 =	sld [smem:$0x3FB2];
	_ =	sdelay $0x3  }
0x37: {  	[smem:$0x3FB2] =	sst s10  }
0x38: {  	s10 =	sld [smem:$0x3FB3]  }
0x39: {  	_ = 	snop;
	(pc) =	sbr.ind lr, $3  }
0x3a: {  	_ = 	snop  }
0x3b: {  	_ = 	snop  }
0x3c: {  	p2 =	seq.s32 s10, $0x1;
	s10 =	sld [smem:$0x3FB2]  }
0x3d: {  	_ =	shalt  }
0x3e: {  	_ =	shalt  }
0x3f: {  	_ =	shalt  }
0x40: {  	_ =	shalt  }
0x41: {  	_ =	shalt  }
0x42: {  	_ =	shalt  }
0x43: {  	_ =	shalt  }
0x44: {  	_ =	shalt  }
0x45: {  	_ =	shalt  }
0x46: {  	_ =	shalt  }
0x47: {  	_ =	shalt  }
0x48: {  	_ =	shalt  }
0x49: {  	_ =	shalt  }
0x4a: {  	_ =	shalt  }
0x4b: {  	_ =	shalt  }
0x4c: {  	_ =	shalt  }
0x4d: {  	_ =	shalt  }
0x4e: {  	_ =	shalt  }
0x4f: {  	_ =	shalt  }
0x50: {  	_ =	shalt  }
0x51: {  	_ =	shalt  }
0x52: {  	_ =	shalt  }
0x53: {  	_ =	shalt  }
0x54: {  	_ =	shalt  }
0x55: {  	_ =	shalt  }
0x56: {  	_ =	shalt  }
0x57: {  	_ =	shalt  }
0x58: {  	_ =	shalt  }
0x59: {  	_ =	shalt  }
0x5a: {  	_ =	shalt  }
0x5b: {  	_ =	shalt  }
0x5c: {  	_ =	shalt  }
0x5d: {  	_ =	shalt  }
0x5e: {  	_ =	shalt  }
0x5f: {  	_ =	shalt  }
0x60: {  	_ =	shalt  }
0x61: {  	_ =	shalt  }
0x62: {  	_ =	shalt  }
0x63: {  	_ =	shalt  }
0x64: {  	_ =	shalt  }
0x65: {  	_ =	shalt  }
0x66: {  	_ =	shalt  }
0x67: {  	_ =	shalt  }
0x68: {  	_ =	shalt  }
0x69: {  	_ =	shalt  }
0x6a: {  	_ =	shalt  }
0x6b: {  	_ =	shalt  }
0x6c: {  	_ =	shalt  }
0x6d: {  	_ =	shalt  }
0x6e: {  	_ =	shalt  }
0x6f: {  	_ =	shalt  }
0x70: {  	_ =	shalt  }
0x71: {  	_ =	shalt  }
0x72: {  	_ =	shalt  }
0x73: {  	_ =	shalt  }
0x74: {  	_ =	shalt  }
0x75: {  	_ =	shalt  }
0x76: {  	_ =	shalt  }
0x77: {  	_ =	shalt  }
0x78: {  	_ =	shalt  }
0x79: {  	_ =	shalt  }
0x7a: {  	_ =	shalt  }
0x7b: {  	_ =	shalt  }
0x7c: {  	_ =	shalt  }
0x7d: {  	_ =	shalt  }
0x7e: {  	_ =	shalt  }
0x7f: {  	_ =	shalt  }
0x80: {  	_ =	shalt  }
0x81: {  	_ =	shalt  }
0x82: {  	_ =	shalt  }
0x83: {  	_ =	shalt  }
0x84: {  	_ =	shalt  }
0x85: {  	_ =	shalt  }
0x86: {  	_ =	shalt  }
0x87: {  	_ =	shalt  }
.Lfunc_end0:
.L_simem_size_0:
called_computation_lowered:
.L_overlay_start_0:
0x88: {  	s2 =	sld [smem:$0x3FD9]  }
0x89: {  	s3 =	sld [smem:$0x3FFE];
	_ =	sdelay $0x1  }
0x8a: {  	s1 =	srdreg.scid  }
0x8b: {  	s0 =	sand.u32 $0x1, s1  }
0x8c: {  	s17 =	sshll.u32 s0, $0xA;
	s2 =	sadd.s32 s3, s2  }
0x8d: {  	s2 =	sadd.s32 s2, s17  }
0x8e: {  	[smem:$0x3FBE] =	sst s2  }
0x8f: {  	_ = 	snop  }
0x90: {  	s2 =	sld [smem:$0x3FD0];
	(tm) =	ssettm $0x1  }
0x91: {  	s18 =	sld [smem:$0x3FFB];
	_ =	sdelay $0x3  }
0x92: {  	_ =	strace s18  }
0x93: {  	s3 =	sld [smem:$0x3FFC];
	_ =	sdelay $0x3  }
0x94: {  	_ =	strace s3  }
0x95: {  	s3 =	sld [smem:$0x3FFD];
	_ =	sdelay $0x3  }
0x96: {  	_ =	strace s3  }
0x97: {  	_ =	strace $0x8FFFFFFF  }
0x98: {  	s19 =	sld [smem:$0x3FDB];
	_ =	sdelay $0x1  }
0x99: {  	s4 =	simm.s32 $_scs_section_size  }
0x9a: {  	s5 =	simm.s32 $_size__tile_overlayer_lowered;
	s6 =	simm.s32 $_tile_overlayer_lowered  }
0x9b: {  	s22 =	simm.s32 $0x1BFF;
	s21 =	sshll.u32 s6, $0x1;
	s3 =	sadd.s32 s4, s19  }
0x9c: {  	s7 =	simm.s32 $0x0;
	s20 =	sshll.u32 s5, $0x1;
	s5 =	sadd.s32 s21, s3  }
0x9d: {  	[timem:s7], [sflag:s22] =	dma.local [hbm:s5], s20  }
0x9e: {  	_ =	swait.ge [sflag:s22], s20  }
0x9f: {  	s4 =	ssub.s32 $0x0, s20;
	[sflag:s22] =	ssyncset.done $0x0  }
0xa0: {  	[sflag:s22] =	ssyncadd.s32 s4;
	_ =	sdelay $0x1  }
0xa1: {  	s23 =	simm.s32 $0x1B8B  }
0xa2: {  	_ =	swait.ge [sflag:s23], $0x1  }
0xa3: {  	[sflag:s23] =	ssyncset.done $0x0  }
0xa4: {  	s25 =	simm.s32 $0x1B8E;
	s24 =	sld [smem:$0x3FFE];
	[sflag:s23] =	ssyncadd.s32 $0xFFFFFFFF  }
0xa5: {  	s26 =	simm.s32 $execute0_lowered;
	[smem:$0x3FD2] =	sst s25  }
0xa6: {  	s5 =	sshll.u32 s26, $0x1;
	_ =	strace $0x80000046;
	[dreg:$0x1] =	wrdreg $0xFFFFFFFF  }
0xa7: {  	s28 =	simm.s32 $_size_execute0_lowered;
	s3 =	sadd.s32 s3, s5;
	[dreg:$0x0] =	wrdreg $0x0  }
0xa8: {  	s5 =	sshll.u32 s28, $0x1;
	[dreg:$0x2] =	wrdreg s3  }
0xa9: {  	[dreg:$0x3] =	wrdreg s5  }
0xaa: {  	[dreg:$0x4] =	wrdreg $0xC0  }
0xab: {  	_ =	task [dreg:s7], $0x5FFFF  }
0xac: {  	[dreg:$0x1] =	wrdreg $0xFFFFFFFF  }
0xad: {  	[dreg:$0x0] =	wrdreg $0x60  }
0xae: {  	[dreg:$0x2] =	wrdreg s2  }
0xaf: {  	[dreg:$0x3] =	wrdreg s24  }
0xb0: {  	[dreg:$0x4] =	wrdreg $0x9  }
0xb1: {  	_ =	task.clear_ibuf [dreg:s7], $0x5FFFF;
	_ =	strace $0x90000046  }
0xb2: {  	s29 =	simm.s32 $0x9;
	_ =	strace $0x80000048  }
0xb3: {  	_ =	swait.ge [sflag:s29], $0x1  }
0xb4: {  	[sflag:s29] =	ssyncadd.s32 $0xFFFFFFFF  }
0xb5: {  	_ =	strace $0x90000048  }
0xb6: {  	_ =	sfence  }
0xb7: {  	s30 =	sld [smem:$0x0];
	_ =	sdelay $0x2  }
0xb8: {  	s31 =	sshll.u32 s1, $0xD;
	s1 =	sshrl.u32 s1, $0x2  }
0xb9: {  	s3 =	sand.u32 $0x4000, s31;
	s1 =	sadd.s32 s1, s30  }
0xba: {  	s0 =	sor.u32 s3, s0;
	s1 =	sshll.u32 s1, $0x11  }
0xbb: {  	s0 =	sor.u32 s1, s0  }
0xbc: {  	s0 =	sadd.s32 $0x8F2B, s0  }
0xbd: {  	[sflag:s0] =	ssyncadd.remote.s32 $0x1  }
0xbe: {  	_ =	sfence.sel $0xFFFF  }
0xbf: {  	[dreg:$0x0] =	wrdreg $0xFFFFFFFF;
	(pc) =	sbr.abs _section_cstart, $3  }
0xc0: {  	[dreg:$0x1] =	wrdreg $0xFFFFFFFF  }
0xc1: {  	_ =	task.clear_ibuf [dreg:s7], $0x2FFFF;
	_ =	strace $0x9FFFFFFF  }
0xc2: {  	(tm) =	ssettm $0x7FFFFFFF  }
0xc3: {  	_ =	shalt  }
tec
execute0_lowered:
.L_overlay_start_1:
0x0: {  	(tag) =	ssettag $0x1  }
0x1: {  	s1 =	rddreg [dreg:$0x0]  }
0x2: {  	s0 =	rddreg [dreg:$0x1];
	s2 =	simm.s32 $0x0  }
0x3: {  	s25 =	srdreg.scid;
	s6 =	stileid.u32;
	s9 =	simm.s32 $0x2  }
0x4: {  	s28 =	simm.s32 $0x7600;
	s29 =	simm.s32 $0x7E00;
	s30 =	simm.s32 $0x8600  }
0x5: {  	s31 =	simm.s32 $0x8E00;
	s10 =	simm.s32 $0xB600;
	s11 =	simm.s32 $0xBE00  }
0x6: {  	s12 =	simm.s32 $0xC600;
	s13 =	simm.s32 $0x1;
	s14 =	simm.s32 $0xCE00  }
0x7: {  	s16 =	simm.s32 $0x0;
	[smem:$0x7FF] =	sst s2;
	s4 =	sadd.s32 $0x2600, s0  }
0x8: {  	s2 =	sand.u32 $0x1, s25;
	s5 =	sadd.s32 $0x182600, s0;
	s8 =	sshll.u32 s6, $0xB  }
0x9: {  	s6 =	sadd.s32 $0x5600, s0;
	s25 =	simm.s32 $0x6600;
	s3 =	ssub.s32 $0x2, s2  }
0xa: {  	_ =	strace $0x80000047;
	s2 =	sshll.u32 s2, $0xA;
	s7 =	sshrl.u32 s3, $0x1  }
0xb: {  	v2 =	vlaneseq.u32;
	s26 =	ssub.s32 s3, s7;
	s7 =	sor.u32 s2, s8;
	s3 =	simm.s32 $0x9E00  }
0xc: {  	vm0 =	vmmov $0xffff;
	v1 =	vshrl.u32 v2, $0x3;
	s8 =	simm.s32 $0xA600;
	s2 =	simm.s32 $0xAE00;
	s0 =	smax.u32 s26, $0x1  }
0xd: {  	v0 =	vand.u32 $0x7, v2;
	v2 =	vor.u32 $0x8, v2;
	v1 =	vmul.u32 $0x8, v1;
	s26 =	simm.s32 $0x6E00;
	[dreg:$0x3] =	wrdreg s0;
	s0 =	simm.s32 $0x9600  }
.LBB2_1:
0xe: {  	[dreg:$0x4] =	wrdreg s16;
	s15 =	simm.s32 $0x0  }
.LBB2_2:
0xf: {  	s16 =	sshll.u32 s15, $0x6  }
0x10: {  	s16 =	sadd.s32 s7, s16  }
0x11: {  	s17 =	sshrl.u32 s16, $0x3  }
0x12: {  	s18 =	simm.s32 $0x0;
	s17 =	sadd.s32 s4, s17  }
0x13: {  	[tilespmem:s18], [sflag:$0x2] =	stream.linear.gather [hbm4b:s17+s18], $0x40, $0x38;
	[tilespmem:$0x10E00] =	vst v63  }
0x14: {  	_ =	swait.ge [sflag:s9], $0x40  }
0x15: {  	s23 =	sshll.u32 s16, $0x1;
	[sflag:s9] =	ssyncset.done $0x0  }
0x16: {  	s19 =	simm.s32 $0x200;
	s17 =	sadd.s32 s5, s23;
	[sflag:s9] =	ssyncadd.s32 $0xFFFFFFC0  }
0x17: {  	[tilespmem:s19], [sflag:$0x2] =	stream.linear.gather [hbm4b:s17+s18], $0x400, $0x38;
	[tilespmem:$0x10E00] =	vst v63  }
0x18: {  	s24 =	sor.u32 $0x8000, s16;
	_ =	swait.ge [sflag:s9], $0x400  }
0x19: {  	s20 =	sshrl.u32 s24, $0x3;
	[sflag:s9] =	ssyncset.done $0x0  }
0x1a: {  	s21 =	simm.s32 $0x80;
	s20 =	sadd.s32 s4, s20;
	[sflag:s9] =	ssyncadd.s32 $0xFFFFFC00  }
0x1b: {  	[tilespmem:s21], [sflag:$0x2] =	stream.linear.gather [hbm4b:s20+s18], $0x40, $0x38;
	[tilespmem:$0x10E00] =	vst v63  }
0x1c: {  	_ =	swait.ge [sflag:s9], $0x40  }
0x1d: {  	s17 =	sshll.u32 s24, $0x1;
	[sflag:s9] =	ssyncset.done $0x0  }
0x1e: {  	s17 =	sadd.s32 s5, s17;
	s21 =	simm.s32 $0x600;
	[sflag:s9] =	ssyncadd.s32 $0xFFFFFFC0  }
0x1f: {  	[tilespmem:s21], [sflag:$0x2] =	stream.linear.gather [hbm4b:s17+s18], $0x400, $0x38;
	[tilespmem:$0x10E00] =	vst v63  }
0x20: {  	s22 =	sor.u32 $0x10000, s16;
	_ =	swait.ge [sflag:s9], $0x400  }
0x21: {  	s23 =	sshrl.u32 s22, $0x3;
	[sflag:s9] =	ssyncset.done $0x0  }
0x22: {  	s24 =	simm.s32 $0x100;
	s20 =	sadd.s32 s4, s23;
	[sflag:s9] =	ssyncadd.s32 $0xFFFFFC00  }
0x23: {  	[tilespmem:s24], [sflag:$0x2] =	stream.linear.gather [hbm4b:s20+s18], $0x40, $0x38;
	[tilespmem:$0x10E00] =	vst v63  }
0x24: {  	_ =	swait.ge [sflag:s9], $0x40  }
0x25: {  	s17 =	sshll.u32 s22, $0x1;
	[sflag:s9] =	ssyncset.done $0x0  }
0x26: {  	s21 =	simm.s32 $0xA00;
	s17 =	sadd.s32 s5, s17;
	[sflag:s9] =	ssyncadd.s32 $0xFFFFFFC0  }
0x27: {  	[tilespmem:s21], [sflag:$0x2] =	stream.linear.gather [hbm4b:s17+s18], $0x400, $0x38;
	[tilespmem:$0x10E00] =	vst v63  }
0x28: {  	_ =	swait.ge [sflag:s9], $0x400  }
0x29: {  	[sflag:s9] =	ssyncset.done $0x0  }
0x2a: {  	[sflag:s9] =	ssyncadd.s32 $0xFFFFFC00  }
0x2b: {  	v3 =	vld [tilespmem:$0x0];
	_ =	sdelay $0x4  }
0x2c: {  	v4 =	vshll.u32 v3, $0x1  }
0x2d: {  	v3 =	vand.u32 $0x7, v3;
	v4 =	vand.u32 $0xFFFFFFF0, v4  }
0x2e: {  	v3 =	vor.u32 v3, v4  }
0x2f: {  	v4 =	vperm.xlane v3, v0;
	_ =	sdelay $0x1  }
0x30: {  	v3 =	vperm.xlane v3, v2;
	v4 =	vadd.s32 v1, v4;
	_ =	sdelay $0x1  }
0x31: {  	v3 =	vadd.s32 v1, v3;
	_ =	sdelay $0x1  }
0x32: {  	s22 =	simm.s32 $0xE00  }
0x33: {  	[tilespmem:s22], [sflag:$0x1] =	stream.indirect_vreg.gather [hbm4b:s1+s18], $0x80, v4, vm0, $0xb8;
	[tilespmem:$0x10E00] =	vst v63  }
0x34: {  	s23 =	simm.s32 $0x1600  }
0x35: {  	[tilespmem:s23], [sflag:$0x1] =	stream.indirect_vreg.gather [hbm4b:s1+s18], $0x80, v3, vm0, $0xb8;
	[tilespmem:$0x10E00] =	vst v63  }
0x36: {  	v3 =	vld [tilespmem:$0x10];
	_ =	sdelay $0x4  }
0x37: {  	v4 =	vshll.u32 v3, $0x1  }
0x38: {  	v3 =	vand.u32 $0x7, v3;
	v4 =	vand.u32 $0xFFFFFFF0, v4  }
0x39: {  	v3 =	vor.u32 v3, v4  }
0x3a: {  	v4 =	vperm.xlane v3, v0;
	_ =	sdelay $0x1  }
0x3b: {  	v3 =	vperm.xlane v3, v2;
	v4 =	vadd.s32 v1, v4;
	_ =	sdelay $0x1  }
0x3c: {  	v3 =	vadd.s32 v1, v3;
	_ =	sdelay $0x1  }
0x3d: {  	s24 =	simm.s32 $0x1E00  }
0x3e: {  	[tilespmem:s24], [sflag:$0x1] =	stream.indirect_vreg.gather [hbm4b:s1+s18], $0x80, v4, vm0, $0xb8;
	[tilespmem:$0x10E00] =	vst v63  }
0x3f: {  	s20 =	simm.s32 $0x2600  }
0x40: {  	[tilespmem:s20], [sflag:$0x1] =	stream.indirect_vreg.gather [hbm4b:s1+s18], $0x80, v3, vm0, $0xb8;
	[tilespmem:$0x10E00] =	vst v63  }
0x41: {  	v3 =	vld [tilespmem:$0x20];
	_ =	sdelay $0x4  }
0x42: {  	v4 =	vshll.u32 v3, $0x1  }
0x43: {  	v3 =	vand.u32 $0x7, v3;
	v4 =	vand.u32 $0xFFFFFFF0, v4  }
0x44: {  	v3 =	vor.u32 v3, v4  }
0x45: {  	v4 =	vperm.xlane v3, v0;
	_ =	sdelay $0x1  }
0x46: {  	v3 =	vperm.xlane v3, v2;
	v4 =	vadd.s32 v1, v4;
	_ =	sdelay $0x1  }
0x47: {  	v3 =	vadd.s32 v1, v3;
	_ =	sdelay $0x1  }
0x48: {  	s21 =	simm.s32 $0x2E00  }
0x49: {  	[tilespmem:s21], [sflag:$0x1] =	stream.indirect_vreg.gather [hbm4b:s1+s18], $0x80, v4, vm0, $0xb8;
	[tilespmem:$0x10E00] =	vst v63  }
0x4a: {  	s22 =	simm.s32 $0x3600  }
0x4b: {  	[tilespmem:s22], [sflag:$0x1] =	stream.indirect_vreg.gather [hbm4b:s1+s18], $0x80, v3, vm0, $0xb8;
	[tilespmem:$0x10E00] =	vst v63  }
0x4c: {  	v3 =	vld [tilespmem:$0x30];
	_ =	sdelay $0x4  }
0x4d: {  	v4 =	vshll.u32 v3, $0x1  }
0x4e: {  	v3 =	vand.u32 $0x7, v3;
	v4 =	vand.u32 $0xFFFFFFF0, v4  }
0x4f: {  	v3 =	vor.u32 v3, v4  }
0x50: {  	v4 =	vperm.xlane v3, v0;
	_ =	sdelay $0x1  }
0x51: {  	v3 =	vperm.xlane v3, v2;
	v4 =	vadd.s32 v1, v4;
	_ =	sdelay $0x1  }
0x52: {  	v3 =	vadd.s32 v1, v3;
	_ =	sdelay $0x1  }
0x53: {  	s23 =	simm.s32 $0x3E00  }
0x54: {  	[tilespmem:s23], [sflag:$0x1] =	stream.indirect_vreg.gather [hbm4b:s1+s18], $0x80, v4, vm0, $0xb8;
	[tilespmem:$0x10E00] =	vst v63  }
0x55: {  	s24 =	simm.s32 $0x4600  }
0x56: {  	[tilespmem:s24], [sflag:$0x1] =	stream.indirect_vreg.gather [hbm4b:s1+s18], $0x80, v3, vm0, $0xb8;
	[tilespmem:$0x10E00] =	vst v63  }
0x57: {  	v3 =	vld [tilespmem:$0x80];
	_ =	sdelay $0x4  }
0x58: {  	v4 =	vshll.u32 v3, $0x1  }
0x59: {  	v3 =	vand.u32 $0x7, v3;
	v4 =	vand.u32 $0xFFFFFFF0, v4  }
0x5a: {  	v3 =	vor.u32 v3, v4  }
0x5b: {  	v4 =	vperm.xlane v3, v0;
	_ =	sdelay $0x1  }
0x5c: {  	v3 =	vperm.xlane v3, v2;
	v4 =	vadd.s32 v1, v4;
	_ =	sdelay $0x1  }
0x5d: {  	v3 =	vadd.s32 v1, v3;
	_ =	sdelay $0x1  }
0x5e: {  	s20 =	simm.s32 $0x4E00  }
0x5f: {  	[tilespmem:s20], [sflag:$0x1] =	stream.indirect_vreg.gather [hbm4b:s1+s18], $0x80, v4, vm0, $0xb8;
	[tilespmem:$0x10E00] =	vst v63  }
0x60: {  	s21 =	simm.s32 $0x5600  }
0x61: {  	[tilespmem:s21], [sflag:$0x1] =	stream.indirect_vreg.gather [hbm4b:s1+s18], $0x80, v3, vm0, $0xb8;
	[tilespmem:$0x10E00] =	vst v63  }
0x62: {  	v3 =	vld [tilespmem:$0x90];
	_ =	sdelay $0x4  }
0x63: {  	v4 =	vshll.u32 v3, $0x1  }
0x64: {  	v3 =	vand.u32 $0x7, v3;
	v4 =	vand.u32 $0xFFFFFFF0, v4  }
0x65: {  	v3 =	vor.u32 v3, v4  }
0x66: {  	v4 =	vperm.xlane v3, v0;
	_ =	sdelay $0x1  }
0x67: {  	v3 =	vperm.xlane v3, v2;
	v4 =	vadd.s32 v1, v4;
	_ =	sdelay $0x1  }
0x68: {  	v3 =	vadd.s32 v1, v3;
	_ =	sdelay $0x1  }
0x69: {  	s22 =	simm.s32 $0x5E00  }
0x6a: {  	[tilespmem:s22], [sflag:$0x1] =	stream.indirect_vreg.gather [hbm4b:s1+s18], $0x80, v4, vm0, $0xb8;
	[tilespmem:$0x10E00] =	vst v63  }
0x6b: {  	_ = 	snop  }
0x6c: {  	[tilespmem:s25], [sflag:$0x1] =	stream.indirect_vreg.gather [hbm4b:s1+s18], $0x80, v3, vm0, $0xb8;
	[tilespmem:$0x10E00] =	vst v63  }
0x6d: {  	v3 =	vld [tilespmem:$0xA0];
	_ =	sdelay $0x4  }
0x6e: {  	v4 =	vshll.u32 v3, $0x1  }
0x6f: {  	v3 =	vand.u32 $0x7, v3;
	v4 =	vand.u32 $0xFFFFFFF0, v4  }
0x70: {  	v3 =	vor.u32 v3, v4  }
0x71: {  	v4 =	vperm.xlane v3, v0;
	_ =	sdelay $0x1  }
0x72: {  	v3 =	vperm.xlane v3, v2;
	v4 =	vadd.s32 v1, v4;
	_ =	sdelay $0x1  }
0x73: {  	v3 =	vadd.s32 v1, v3;
	_ =	sdelay $0x2  }
0x74: {  	[tilespmem:s26], [sflag:$0x1] =	stream.indirect_vreg.gather [hbm4b:s1+s18], $0x80, v4, vm0, $0xb8;
	[tilespmem:$0x10E00] =	vst v63  }
0x75: {  	_ = 	snop  }
0x76: {  	[tilespmem:s28], [sflag:$0x1] =	stream.indirect_vreg.gather [hbm4b:s1+s18], $0x80, v3, vm0, $0xb8;
	[tilespmem:$0x10E00] =	vst v63  }
0x77: {  	v3 =	vld [tilespmem:$0xB0];
	_ =	sdelay $0x4  }
0x78: {  	v4 =	vshll.u32 v3, $0x1  }
0x79: {  	v3 =	vand.u32 $0x7, v3;
	v4 =	vand.u32 $0xFFFFFFF0, v4  }
0x7a: {  	v3 =	vor.u32 v3, v4  }
0x7b: {  	v4 =	vperm.xlane v3, v0;
	_ =	sdelay $0x1  }
0x7c: {  	v3 =	vperm.xlane v3, v2;
	v4 =	vadd.s32 v1, v4;
	_ =	sdelay $0x1  }
0x7d: {  	v3 =	vadd.s32 v1, v3;
	_ =	sdelay $0x2  }
0x7e: {  	[tilespmem:s29], [sflag:$0x1] =	stream.indirect_vreg.gather [hbm4b:s1+s18], $0x80, v4, vm0, $0xb8;
	[tilespmem:$0x10E00] =	vst v63  }
0x7f: {  	_ = 	snop  }
0x80: {  	[tilespmem:s30], [sflag:$0x1] =	stream.indirect_vreg.gather [hbm4b:s1+s18], $0x80, v3, vm0, $0xb8;
	[tilespmem:$0x10E00] =	vst v63  }
0x81: {  	v3 =	vld [tilespmem:$0x100];
	_ =	sdelay $0x4  }
0x82: {  	v4 =	vshll.u32 v3, $0x1  }
0x83: {  	v3 =	vand.u32 $0x7, v3;
	v4 =	vand.u32 $0xFFFFFFF0, v4  }
0x84: {  	v3 =	vor.u32 v3, v4  }
0x85: {  	v4 =	vperm.xlane v3, v0;
	_ =	sdelay $0x1  }
0x86: {  	v3 =	vperm.xlane v3, v2;
	v4 =	vadd.s32 v1, v4;
	_ =	sdelay $0x1  }
0x87: {  	v3 =	vadd.s32 v1, v3;
	_ =	sdelay $0x2  }
0x88: {  	[tilespmem:s31], [sflag:$0x1] =	stream.indirect_vreg.gather [hbm4b:s1+s18], $0x80, v4, vm0, $0xb8;
	[tilespmem:$0x10E00] =	vst v63  }
0x89: {  	_ = 	snop  }
0x8a: {  	[tilespmem:s0], [sflag:$0x1] =	stream.indirect_vreg.gather [hbm4b:s1+s18], $0x80, v3, vm0, $0xb8;
	[tilespmem:$0x10E00] =	vst v63  }
0x8b: {  	v3 =	vld [tilespmem:$0x110];
	_ =	sdelay $0x4  }
0x8c: {  	v4 =	vshll.u32 v3, $0x1  }
0x8d: {  	v3 =	vand.u32 $0x7, v3;
	v4 =	vand.u32 $0xFFFFFFF0, v4  }
0x8e: {  	v3 =	vor.u32 v3, v4  }
0x8f: {  	v4 =	vperm.xlane v3, v0;
	_ =	sdelay $0x1  }
0x90: {  	v3 =	vperm.xlane v3, v2;
	v4 =	vadd.s32 v1, v4;
	_ =	sdelay $0x1  }
0x91: {  	v3 =	vadd.s32 v1, v3;
	_ =	sdelay $0x2  }
0x92: {  	[tilespmem:s3], [sflag:$0x1] =	stream.indirect_vreg.gather [hbm4b:s1+s18], $0x80, v4, vm0, $0xb8;
	[tilespmem:$0x10E00] =	vst v63  }
0x93: {  	_ = 	snop  }
0x94: {  	[tilespmem:s8], [sflag:$0x1] =	stream.indirect_vreg.gather [hbm4b:s1+s18], $0x80, v3, vm0, $0xb8;
	[tilespmem:$0x10E00] =	vst v63  }
0x95: {  	v3 =	vld [tilespmem:$0x120];
	_ =	sdelay $0x4  }
0x96: {  	v4 =	vshll.u32 v3, $0x1  }
0x97: {  	v3 =	vand.u32 $0x7, v3;
	v4 =	vand.u32 $0xFFFFFFF0, v4  }
0x98: {  	v3 =	vor.u32 v3, v4  }
0x99: {  	v4 =	vperm.xlane v3, v0;
	_ =	sdelay $0x1  }
0x9a: {  	v3 =	vperm.xlane v3, v2;
	v4 =	vadd.s32 v1, v4;
	_ =	sdelay $0x1  }
0x9b: {  	v3 =	vadd.s32 v1, v3;
	_ =	sdelay $0x2  }
0x9c: {  	[tilespmem:s2], [sflag:$0x1] =	stream.indirect_vreg.gather [hbm4b:s1+s18], $0x80, v4, vm0, $0xb8;
	[tilespmem:$0x10E00] =	vst v63  }
0x9d: {  	_ = 	snop  }
0x9e: {  	[tilespmem:s10], [sflag:$0x1] =	stream.indirect_vreg.gather [hbm4b:s1+s18], $0x80, v3, vm0, $0xb8;
	[tilespmem:$0x10E00] =	vst v63  }
0x9f: {  	v3 =	vld [tilespmem:$0x130];
	_ =	sdelay $0x4  }
0xa0: {  	v4 =	vshll.u32 v3, $0x1  }
0xa1: {  	v3 =	vand.u32 $0x7, v3;
	v4 =	vand.u32 $0xFFFFFFF0, v4  }
0xa2: {  	v3 =	vor.u32 v3, v4  }
0xa3: {  	v4 =	vperm.xlane v3, v0;
	_ =	sdelay $0x1  }
0xa4: {  	v3 =	vperm.xlane v3, v2;
	v4 =	vadd.s32 v1, v4;
	_ =	sdelay $0x1  }
0xa5: {  	v3 =	vadd.s32 v1, v3;
	_ =	sdelay $0x2  }
0xa6: {  	[tilespmem:s11], [sflag:$0x1] =	stream.indirect_vreg.gather [hbm4b:s1+s18], $0x80, v4, vm0, $0xb8;
	[tilespmem:$0x10E00] =	vst v63  }
0xa7: {  	_ = 	snop  }
0xa8: {  	[tilespmem:s12], [sflag:$0x1] =	stream.indirect_vreg.gather [hbm4b:s1+s18], $0x80, v3, vm0, $0xb8;
	[tilespmem:$0x10E00] =	vst v63  }
0xa9: {  	_ =	swait.ge [sflag:s13], $0x4000  }
0xaa: {  	[sflag:s13] =	ssyncset.done $0x0  }
0xab: {  	[sflag:s13] =	ssyncadd.s32 $0xFFFFC000  }
0xac: {  	_ =	swait.ge [sflag:s13], $0x4000  }
0xad: {  	[sflag:s13] =	ssyncset.done $0x0  }
0xae: {  	[sflag:s13] =	ssyncadd.s32 $0xFFFFC000  }
0xaf: {  	_ =	swait.ge [sflag:s13], $0x4000  }
0xb0: {  	s23 =	sand.u32 $0x3800, s18;
	s24 =	sand.u32 $0x380, s18;
	[sflag:s13] =	ssyncset.done $0x0  }
0xb1: {  	s17 =	sor.u32 s24, s23;
	[sflag:s13] =	ssyncadd.s32 $0xFFFFC000  }
0xb2: {  	v9 =	vld [tilespmem:s17+$0x8E30]  }
0xb3: {  	v7 =	vld [tilespmem:s17+$0x8E00]  }
0xb4: {  	v10 =	vld [tilespmem:s17+$0x5270]  }
0xb5: {  	v29 =	vld [tilespmem:s17+$0x9210]  }
0xb6: {  	v5 =	vld [tilespmem:s17+$0x5200]  }
0xb7: {  	v11 =	vld [tilespmem:s17+$0x5210]  }
0xb8: {  	v12 =	vld [tilespmem:s17+$0x1270]  }
0xb9: {  	v8 =	vld [tilespmem:s17+$0x1210]  }
0xba: {  	v13 =	vld [tilespmem:s17+$0x5260]  }
0xbb: {  	v14 =	vld [tilespmem:s17+$0x1260]  }
0xbc: {  	v15 =	vld [tilespmem:s17+$0x8E70]  }
0xbd: {  	v16 =	vld [tilespmem:s17+$0x1200]  }
0xbe: {  	v17 =	vld [tilespmem:s17+$0x5240]  }
0xbf: {  	v18 =	vld [tilespmem:s17+$0x5250]  }
0xc0: {  	v19 =	vld [tilespmem:s17+$0x1250]  }
0xc1: {  	v20 =	vld [tilespmem:s17+$0x4E50]  }
0xc2: {  	v21 =	vld [tilespmem:s17+$0x1240]  }
0xc3: {  	v3 =	vld [tilespmem:s19+$0x0]  }
0xc4: {  	s18 =	sand.u32 $0x3F0, s18;
	v22 =	vld [tilespmem:s17+$0x5230]  }
0xc5: {  	v4 =	vld [tilespmem:s18+$0x600]  }
0xc6: {  	v23 =	vld [tilespmem:s17+$0x1230]  }
0xc7: {  	v24 =	vld [tilespmem:s17+$0x4E40]  }
0xc8: {  	v25 =	vld [tilespmem:s17+$0xE40]  }
0xc9: {  	v26 =	vld [tilespmem:s17+$0x1220]  }
0xca: {  	v27 =	vld [tilespmem:s17+$0x4E30]  }
0xcb: {  	v28 =	vld [tilespmem:s17+$0x9270]  }
0xcc: {  	v31 =	vld [tilespmem:s17+$0xE30];
	v34 =	vmul.f32 v16, v3;
	v35 =	vmul.f32 v8, v3  }
0xcd: {  	v33 =	vld [tilespmem:s17+$0xE20];
	v20 =	vmul.f32 v20, v4;
	v37 =	vmul.f32 v13, v4  }
0xce: {  	v32 =	vld [tilespmem:s17+$0x4E20];
	v8 =	vmul.f32 v22, v4;
	v13 =	vmul.f32 v17, v4  }
0xcf: {  	v30 =	vld [tilespmem:s17+$0x9230];
	v38 =	vmul.f32 v24, v4;
	v39 =	vmul.f32 v5, v4  }
0xd0: {  	v22 =	vld [tilespmem:s17+$0x4E00];
	v23 =	vmul.f32 v23, v3;
	v25 =	vmul.f32 v25, v3  }
0xd1: {  	v17 =	vld [tilespmem:s17+$0xE00];
	v21 =	vmul.f32 v21, v3;
	v24 =	vmul.f32 v27, v4  }
0xd2: {  	v16 =	vld [tilespmem:s17+$0x4E10];
	v27 =	vmul.f32 v31, v3;
	v58 =	vmul.f32 v33, v3  }
0xd3: {  	v5 =	vld [tilespmem:s18+$0xA00];
	v23 =	vadd.f32 v8, v23;
	v8 =	vadd.f32 v13, v21;
	v21 =	vmul.f32 v32, v4  }
0xd4: {  	v36 =	vld [tilespmem:s17+$0xE10];
	v10 =	vmul.f32 v10, v4;
	v12 =	vmul.f32 v12, v3  }
0xd5: {  	v59 =	vld [tilespmem:s17+$0x9260];
	v13 =	vadd.f32 v24, v27;
	v27 =	vadd.f32 v21, v58;
	v21 =	vmul.f32 v11, v4  }
0xd6: {  	v40 =	vld [tilespmem:s17+$0x8E40];
	v22 =	vmul.f32 v22, v4;
	v17 =	vmul.f32 v17, v3  }
0xd7: {  	v31 =	vld [tilespmem:s17+$0xE50];
	v11 =	vadd.f32 v10, v12;
	v12 =	vmul.f32 v18, v4;
	v18 =	vmul.f32 v14, v3  }
0xd8: {  	v60 =	vld [tilespmem:s17+$0x8E20];
	v41 =	vmul.f32 v7, v5;
	v16 =	vmul.f32 v16, v4;
	v17 =	vadd.f32 v22, v17  }
0xd9: {  	v24 =	vld [tilespmem:s17+$0x8E50];
	v7 =	vmul.f32 v26, v3;
	v22 =	vmul.f32 v36, v3  }
0xda: {  	v42 =	vld [tilespmem:s17+$0x8E10];
	v26 =	vmul.f32 v59, v5;
	v18 =	vadd.f32 v37, v18;
	v17 =	vadd.f32 v41, v17  }
0xdb: {  	v61 =	vld [tilespmem:s17+$0x9200];
	v62 =	vadd.f32 v16, v22;
	v22 =	vmul.f32 v30, v5;
	v16 =	vmul.f32 v19, v3  }
0xdc: {  	v10 =	vld [tilespmem:s17+$0x8E60];
	v21 =	vadd.f32 v21, v35;
	v19 =	vmul.f32 v31, v3;
	v30 =	vmul.f32 v40, v5  }
0xdd: {  	v6 =	vld [tilespmem:s17+$0x9240];
	v18 =	vadd.f32 v26, v18;
	v31 =	vmul.f32 v60, v5;
	[tilespmem:s17+$0xCE00] =	vst v17;
	v17 =	vmul.f32 v28, v5  }
0xde: {  	v14 =	vld [tilespmem:s17+$0x9220];
	v19 =	vadd.f32 v20, v19;
	v20 =	vmul.f32 v24, v5;
	v28 =	vadd.f32 v38, v25  }
0xdf: {  	v9 =	vmul.f32 v9, v5;
	[tilespmem:s17+$0xD260] =	vst v18;
	v22 =	vadd.f32 v22, v23;
	v23 =	vld [tilespmem:s17+$0x9250];
	v18 =	vadd.f32 v31, v27  }
0xe0: {  	v24 =	vld [tilespmem:s17+$0x5220];
	v63 =	vadd.f32 v20, v19;
	v26 =	vadd.f32 v30, v28;
	v28 =	vmul.f32 v42, v5  }
0xe1: {  	s20 =	simm.s32 $0x100;
	v25 =	vld [tilespmem:s17+$0xE60];
	v27 =	vmul.f32 v61, v5;
	[tilespmem:s17+$0xD230] =	vst v22;
	v22 =	vadd.f32 v39, v34;
	v19 =	vmul.f32 v10, v5  }
0xe2: {  	s21 =	simm.s32 $0x210;
	s19 =	simm.s32 $0x80;
	s18 =	simm.s32 $0x10;
	v20 =	vmul.f32 v15, v5;
	v15 =	vld [tilespmem:s17+$0x4E60];
	v10 =	vmul.f32 v29, v5;
	[tilespmem:s17+$0xCE50] =	vst v63;
	v28 =	vadd.f32 v28, v62  }
.LBB2_3:
0xe3: {  	s22 =	sand.u32 $0x3F0, s18;
	s23 =	sand.u32 $0x3800, s20;
	s24 =	sand.u32 $0x380, s19;
	v13 =	vadd.f32 v9, v13;
	[tilespmem:s17+$0xCE40] =	vst v26;
	v26 =	vld [tilespmem:s17+$0xE70];
	v6 =	vmul.f32 v6, v5;
	v12 =	vadd.f32 v12, v16  }
0xe4: {  	p0 =	sne.s32 s18, $0x3F0;
	s18 =	sadd.s32 $0x10, s18;
	s23 =	sor.u32 s24, s23;
	[tilespmem:s17+$0xCE10] =	vst v28;
	v16 =	vld [tilespmem:s17+$0x4E70];
	v22 =	vadd.f32 v27, v22;
	v21 =	vadd.f32 v10, v21;
	v10 =	vmul.f32 v23, v5  }
0xe5: {  	v9 =	vld [tilespmem:s23+$0x8E30];
	[tilespmem:s17+$0xCE30] =	vst v13;
	v13 =	vmul.f32 v24, v4;
	v6 =	vadd.f32 v6, v8;
	v8 =	vadd.f32 v17, v11  }
0xe6: {  	v17 =	vld [tilespmem:s23+$0x8E00];
	v11 =	vmul.f32 v25, v3;
	[tilespmem:s17+$0xD200] =	vst v22;
	v12 =	vadd.f32 v10, v12  }
0xe7: {  	v22 =	vld [tilespmem:s23+$0x5270];
	v15 =	vmul.f32 v15, v4;
	v7 =	vadd.f32 v13, v7;
	[tilespmem:s17+$0xD240] =	vst v6  }
0xe8: {  	v10 =	vld [tilespmem:s23+$0x9210];
	v3 =	vmul.f32 v26, v3;
	[tilespmem:s17+$0xD250] =	vst v12  }
0xe9: {  	v6 =	vld [tilespmem:s23+$0x5200];
	v4 =	vmul.f32 v16, v4;
	[tilespmem:s17+$0xD210] =	vst v21  }
0xea: {  	v12 =	vld [tilespmem:s23+$0x5210];
	[tilespmem:s17+$0xD270] =	vst v8  }
0xeb: {  	v21 =	vld [tilespmem:s23+$0x1270]  }
0xec: {  	v5 =	vmul.f32 v14, v5;
	v8 =	vld [tilespmem:s23+$0x1210]  }
0xed: {  	v11 =	vadd.f32 v15, v11;
	v3 =	vadd.f32 v4, v3;
	v13 =	vld [tilespmem:s23+$0x5260]  }
0xee: {  	v4 =	vadd.f32 v5, v7;
	v14 =	vld [tilespmem:s23+$0x1260]  }
0xef: {  	v5 =	vadd.f32 v19, v11;
	v3 =	vadd.f32 v20, v3;
	v15 =	vld [tilespmem:s23+$0x8E70];
	[tilespmem:s17+$0xCE20] =	vst v18  }
0xf0: {  	v7 =	vld [tilespmem:s23+$0x1200];
	[tilespmem:s17+$0xD220] =	vst v4  }
0xf1: {  	v11 =	vld [tilespmem:s23+$0x5240];
	[tilespmem:s17+$0xCE70] =	vst v3  }
0xf2: {  	v16 =	vld [tilespmem:s23+$0x5250];
	[tilespmem:s17+$0xCE60] =	vst v5;
	s17 =	smov.u32 s23  }
0xf3: {  	v5 =	vld [tilespmem:s17+$0x1250]  }
0xf4: {  	v18 =	vld [tilespmem:s17+$0x4E50]  }
0xf5: {  	v19 =	vld [tilespmem:s17+$0x1240]  }
0xf6: {  	v3 =	vld [tilespmem:s21+$0x0]  }
0xf7: {  	v20 =	vld [tilespmem:s17+$0x5230]  }
0xf8: {  	v4 =	vld [tilespmem:s22+$0x600]  }
0xf9: {  	v23 =	vld [tilespmem:s17+$0x1230]  }
0xfa: {  	v24 =	vld [tilespmem:s17+$0x4E40]  }
0xfb: {  	v25 =	vld [tilespmem:s17+$0xE40];
	v26 =	vmul.f32 v7, v3;
	v27 =	vmul.f32 v8, v3  }
0xfc: {  	v7 =	vld [tilespmem:s17+$0x1220]  }
0xfd: {  	v8 =	vld [tilespmem:s17+$0x4E30];
	v18 =	vmul.f32 v18, v4;
	v28 =	vmul.f32 v13, v4  }
0xfe: {  	v13 =	vmul.f32 v20, v4;
	v11 =	vmul.f32 v11, v4;
	v20 =	vld [tilespmem:s17+$0x9270]  }
0xff: {  	v29 =	vmul.f32 v6, v4;
	v24 =	vmul.f32 v24, v4;
	v30 =	vld [tilespmem:s17+$0x9230]  }
0x100: {  	v23 =	vmul.f32 v23, v3;
	v31 =	vld [tilespmem:s17+$0xE30];
	v25 =	vmul.f32 v25, v3  }
0x101: {  	v32 =	vmul.f32 v12, v4;
	v7 =	vmul.f32 v7, v3;
	v6 =	vld [tilespmem:s17+$0x9240]  }
0x102: {  	v23 =	vadd.f32 v13, v23;
	v33 =	vld [tilespmem:s17+$0x4E20];
	v34 =	vmul.f32 v8, v4;
	v8 =	vmul.f32 v19, v3  }
0x103: {  	v12 =	vmul.f32 v16, v4;
	v19 =	vld [tilespmem:s17+$0xE20]  }
0x104: {  	v16 =	vmul.f32 v5, v3;
	v35 =	vld [tilespmem:s17+$0x4E10];
	v8 =	vadd.f32 v11, v8  }
0x105: {  	v11 =	vld [tilespmem:s17+$0xE10];
	v5 =	vmul.f32 v31, v3  }
0x106: {  	v14 =	vmul.f32 v14, v3;
	v31 =	vld [tilespmem:s17+$0x4E00]  }
0x107: {  	v22 =	vmul.f32 v22, v4;
	v36 =	vld [tilespmem:s17+$0xE00];
	v33 =	vmul.f32 v33, v4;
	v13 =	vadd.f32 v34, v5  }
0x108: {  	v21 =	vmul.f32 v21, v3;
	v5 =	vld [tilespmem:s22+$0xA00];
	v19 =	vmul.f32 v19, v3  }
0x109: {  	v34 =	vmul.f32 v35, v4;
	v35 =	vld [tilespmem:s17+$0x8E40]  }
0x10a: {  	v37 =	vmul.f32 v11, v3;
	v19 =	vadd.f32 v33, v19;
	v33 =	vld [tilespmem:s17+$0xE50];
	v11 =	vadd.f32 v22, v21  }
0x10b: {  	v22 =	vmul.f32 v31, v4;
	v31 =	vld [tilespmem:s17+$0x9260]  }
0x10c: {  	v36 =	vmul.f32 v36, v3;
	v34 =	vadd.f32 v34, v37;
	v37 =	vld [tilespmem:s17+$0x8E50]  }
0x10d: {  	v21 =	vadd.f32 v32, v27;
	v38 =	vmul.f32 v17, v5;
	v39 =	vld [tilespmem:s17+$0x8E20];
	v17 =	vmul.f32 v20, v5  }
0x10e: {  	v24 =	vadd.f32 v24, v25;
	v20 =	vadd.f32 v22, v36;
	v27 =	vld [tilespmem:s17+$0x8E10];
	v25 =	vmul.f32 v35, v5  }
0x10f: {  	v22 =	vadd.f32 v29, v26;
	v26 =	vmul.f32 v30, v5;
	v32 =	vmul.f32 v33, v3;
	v33 =	vld [tilespmem:s17+$0x8E60]  }
0x110: {  	v28 =	vadd.f32 v28, v14;
	v20 =	vadd.f32 v38, v20;
	v29 =	vld [tilespmem:s17+$0x9200];
	v30 =	vmul.f32 v31, v5  }
.Ltmp0:
0x111: {  	v18 =	vadd.f32 v18, v32;
	v31 =	vmul.f32 v37, v5;
	v14 =	vld [tilespmem:s17+$0x9220];
	v32 =	vadd.f32 v26, v23;
	(pc) =	sbr.rel @p0 .LBB2_3-.Ltmp0, $4  }
0x112: {  	v26 =	vadd.f32 v25, v24;
	[tilespmem:s17+$0xCE00] =	vst v20;
	v20 =	vmul.f32 v39, v5;
	v23 =	vld [tilespmem:s17+$0x9250];
	v28 =	vadd.f32 v30, v28  }
0x113: {  	v9 =	vmul.f32 v9, v5;
	v27 =	vmul.f32 v27, v5;
	v30 =	vadd.f32 v31, v18;
	v24 =	vld [tilespmem:s17+$0x5220];
	[tilespmem:s17+$0xD230] =	vst v32  }
0x114: {  	v18 =	vadd.f32 v20, v19;
	v25 =	vld [tilespmem:s17+$0xE60];
	v19 =	vmul.f32 v33, v5;
	v20 =	vmul.f32 v15, v5;
	[tilespmem:s17+$0xD260] =	vst v28  }
0x115: {  	s19 =	sadd.s32 $0x80, s19;
	s20 =	sadd.s32 $0x100, s20;
	s21 =	sadd.s32 $0x10, s21;
	v10 =	vmul.f32 v10, v5;
	v28 =	vadd.f32 v27, v34;
	[tilespmem:s17+$0xCE50] =	vst v30;
	v15 =	vld [tilespmem:s17+$0x4E60];
	v27 =	vmul.f32 v29, v5  }
0x116: {  	v55 =	vld [tilespmem:s17+$0xE70]  }
0x117: {  	[tilespmem:s17+$0xCE40] =	vst v26;
	v56 =	vld [tilespmem:s17+$0x4E70]  }
0x118: {  	v9 =	vadd.f32 v9, v13;
	v6 =	vmul.f32 v6, v5;
	v12 =	vadd.f32 v12, v16;
	[tilespmem:s17+$0xCE20] =	vst v18  }
0x119: {  	v11 =	vadd.f32 v17, v11;
	v63 =	vmul.f32 v14, v5;
	[tilespmem:s17+$0xCE10] =	vst v28;
	v57 =	vadd.f32 v27, v22  }
0x11a: {  	v58 =	vmul.f32 v23, v5;
	v10 =	vadd.f32 v10, v21;
	[tilespmem:s17+$0xCE30] =	vst v9;
	v59 =	vmul.f32 v24, v4  }
0x11b: {  	v6 =	vadd.f32 v6, v8;
	[tilespmem:s17+$0xD270] =	vst v11;
	v60 =	vmul.f32 v25, v3;
	v62 =	vmul.f32 v15, v4  }
0x11c: {  	[tilespmem:s17+$0xD200] =	vst v57;
	v7 =	vadd.f32 v59, v7;
	v3 =	vmul.f32 v55, v3;
	v61 =	vmul.f32 v56, v4  }
0x11d: {  	v12 =	vadd.f32 v58, v12;
	[tilespmem:s17+$0xD210] =	vst v10;
	v4 =	vadd.f32 v62, v60  }
0x11e: {  	[tilespmem:s17+$0xD240] =	vst v6;
	v5 =	vadd.f32 v63, v7;
	v3 =	vadd.f32 v61, v3  }
0x11f: {  	[tilespmem:s17+$0xD250] =	vst v12;
	v4 =	vadd.f32 v19, v4  }
0x120: {  	s15 =	sadd.s32 $0x1, s15;
	[tilespmem:s17+$0xD220] =	vst v5;
	v3 =	vadd.f32 v20, v3  }
0x121: {  	s16 =	sshll.u32 s16, $0x5;
	p0 =	sne.s32 s15, $0x10;
	[tilespmem:s17+$0xCE60] =	vst v4  }
.Ltmp1:
0x122: {  	s24 =	simm.s32 $0x0;
	s16 =	sadd.s32 s6, s16;
	[tilespmem:s17+$0xCE70] =	vst v3;
	(pc) =	sbr.rel @p0 .LBB2_2-.Ltmp1, $4  }
0x123: {  	[hbm4b:s16+s24] =	stream.linear.scatter [tilespmem:s14], [sflag:$0x2], $0x4000, $0x38;
	[tilespmem:$0x10E00] =	vst v63  }
0x124: {  	_ =	swait.ge [sflag:s9], $0x4000  }
0x125: {  	[sflag:s9] =	ssyncset.done $0x0  }
0x126: {  	[sflag:s9] =	ssyncadd.s32 $0xFFFFC000  }
0x127: {  	s16 =	rddreg [dreg:$0x4]  }
0x128: {  	s15 =	rddreg [dreg:$0x3];
	s16 =	sadd.s32 $0x1, s16  }
0x129: {  	p0 =	sne.s32 s16, s15  }
.Ltmp2:
0x12a: {  	_ = 	snop;
	(pc) =	sbr.rel @p0 .LBB2_1-.Ltmp2, $1  }
0x12b: {  	_ =	sdelay $0x3  }
0x12c: {  	_ =	sfence.sel $0x180000  }
0x12d: {  	[bflag:$0x0] =	sbarrier.arrive $0xFFFF  }
0x12e: {  	_ =	strace $0x90000047  }
0x12f: {  	s0 =	stileid.u32;
	[bflag:$0x2] =	sbarrier.arrive $0xFFFF  }
0x130: {  	p0 =	sne.s32 s0, $0x0;
	s0 =	rddreg [dreg:$0x2]  }
0x131: {  	s0 =	sadd.s32 @!p0 $0x100000, s0  }
0x132: {  	[sflag:s0] =	ssyncadd.tile.s32 @!p0 $0x1;
	_ =	shalt  }
.Lfunc_end2:
_tile_overlayer_lowered:
.L_overlay_start_2:
0x133: {  	(tag) =	ssettag $0x2  }
0x134: {  	s0 =	rddreg [dreg:$0x0];
	s2 =	stileid.u32  }
0x135: {  	s1 =	rddreg [dreg:$0x1];
	p0 =	sne.s32 s2, $0x0  }
0x136: {  	s3 =	rddreg [dreg:$0x2];
	[bflag:$0x3] =	sbarrier.arrive $0xFFFF;
	s2 =	simm.s32 @!p0 $0x1C02  }
0x137: {  	[timem:s3], [sflag:s2] =	dma.local @!p0 [hbm:s0], s1  }
0x138: {  	s0 =	simm.s32 @!p0 $0x2  }
0x139: {  	_ =	swait.ge @!p0 [sflag:s0], s1  }
0x13a: {  	s1 =	ssub.s32 @!p0 $0x0, s1;
	[sflag:s0] =	ssyncset.done @!p0 $0x0  }
0x13b: {  	[sflag:s0] =	ssyncadd.s32 @!p0 s1  }
0x13c: {  	[bflag:$0x3] =	sbarrier.arrive $0xFFFF  }
0x13d: {  	_ =	shalt  }

</sc_bundles>
